<compile_context>
chip_gen: v7x
topology: tpu7x:2x2x1
jax: 0.10.2.dev20260603
libtpu: 0.0.44.dev20260713+nightly
codegen_flags: <defaults>
</compile_context>

<pallas_src>
import functools

import jax
import jax.numpy as jnp
from jax import lax
from jax.experimental import pallas as pl
from jax.experimental.pallas import tpu as pltpu
from jax.experimental.pallas import tpu_sc as plsc


def _embed(idx_flat, token_table, pos_ext, *, n_rows, d, n_workers, chunk,
           seq_len, nc):
    per_w = n_rows // n_workers
    n_chunks = per_w // chunk
    assert n_chunks % 2 == 0
    mesh = plsc.VectorSubcoreMesh(core_axis_name="c", subcore_axis_name="s")

    @functools.partial(
        pl.kernel,
        out_type=jax.ShapeDtypeStruct((n_rows, 128), jnp.float32),
        mesh=mesh,
        scratch_types=[
            pltpu.VMEM((chunk,), jnp.int32),
            pltpu.VMEM((chunk,), jnp.int32),
            pltpu.VMEM((chunk, d), jnp.float32),
            pltpu.VMEM((chunk, d), jnp.float32),
            pltpu.VMEM(pos_ext.shape, jnp.float32),
            pltpu.SemaphoreType.DMA,
            pltpu.SemaphoreType.DMA,
            pltpu.SemaphoreType.DMA,
            pltpu.SemaphoreType.DMA,
            pltpu.SemaphoreType.DMA,
            pltpu.SemaphoreType.DMA,
        ],
        compiler_params=pltpu.CompilerParams(use_tc_tiling_on_sc=False),
    )
    def run(idx_hbm, tab_hbm, pos_hbm, out_hbm, idx_a, idx_b, rows_a, rows_b,
            pos_v, sg_a, sg_b, si_a, si_b, so_a, so_b):
        wid = lax.axis_index("s") * nc + lax.axis_index("c")
        base_w = wid * per_w
        pltpu.sync_copy(pos_hbm, pos_v)
        pltpu.sync_copy(idx_hbm.at[pl.ds(base_w, chunk)], idx_a)
        pltpu.async_copy(tab_hbm.at[idx_a], rows_a, sg_a)
        pltpu.async_copy(idx_hbm.at[pl.ds(base_w + chunk, chunk)],
                         idx_b, si_b)

        def half(i, cur, idx_c, idx_n, rows_c, rows_n, sg_c, sg_n, si_c, si_n,
                 so_n):
            pltpu.make_async_copy(tab_hbm.at[idx_c], rows_c, sg_c).wait()

            @pl.when(i + 1 < n_chunks)
            def _():
                @pl.when(i >= 1)
                def _():
                    pltpu.make_async_copy(
                        rows_n,
                        out_hbm.at[pl.ds(0, chunk), pl.ds(0, d)],
                        so_n).wait()

                pltpu.make_async_copy(idx_hbm.at[pl.ds(0, chunk)],
                                      idx_n, si_n).wait()
                pltpu.async_copy(tab_hbm.at[idx_n], rows_n, sg_n)

            @pl.when(i + 2 < n_chunks)
            def _():
                pltpu.async_copy(
                    idx_hbm.at[pl.ds(base_w + (i + 2) * chunk, chunk)],
                    idx_c, si_c)

            f0 = base_w + i * chunk
            m = lax.rem(f0, seq_len)

            def add_body(r, c2):
                pr = m + r
                for cc in range(d // 16):
                    plsc.addupdate(
                        rows_c.at[r, pl.ds(cc * 16, 16)],
                        pos_v[pr, pl.ds(cc * 16, 16)],
                    )
                return c2

            lax.fori_loop(0, chunk, add_body, 0, unroll=8)
            pltpu.async_copy(rows_c,
                             out_hbm.at[pl.ds(f0, chunk), pl.ds(0, d)],
                             so_a if cur == 0 else so_b)

        def pair_body(j, carry):
            half(2 * j, 0, idx_a, idx_b, rows_a, rows_b, sg_a, sg_b, si_a,
                 si_b, so_b)
            half(2 * j + 1, 1, idx_b, idx_a, rows_b, rows_a, sg_b, sg_a,
                 si_b, si_a, so_a)
            return carry

        lax.fori_loop(0, n_chunks // 2, pair_body, 0)
        pltpu.make_async_copy(rows_a, out_hbm.at[pl.ds(0, chunk), pl.ds(0, d)],
                              so_a).wait()
        pltpu.make_async_copy(rows_b, out_hbm.at[pl.ds(0, chunk), pl.ds(0, d)],
                              so_b).wait()

    return run(idx_flat, token_table, pos_ext)


def kernel(input_ids, token_table, position_table):
    b, s = input_ids.shape
    v, d = token_table.shape
    n_rows = b * s
    chunk = 512
    info = plsc.get_sparse_core_info()
    nc, ns = info.num_cores, info.num_subcores
    n_workers = nc * ns

    reps = -(-(s + chunk) // s)
    pos_ext = jnp.concatenate([position_table[:s]] * reps, axis=0)[: s + chunk]

    idx_flat = input_ids.reshape(-1)
    out = _embed(idx_flat, token_table, pos_ext, n_rows=n_rows, d=d,
                 n_workers=n_workers, chunk=chunk, seq_len=s, nc=nc)
    return out[:, :d].reshape(b, s, d)

# --- scband reference (transcript-rebuilt; emitter-appended) ---
"""Pipeline reference for scband-token-position-embedding-23038204576211 (READ-ONLY COPY).

The authoritative reference and input builder live on the scoring server;
editing this copy changes nothing except your own understanding.
"""

import jax, jax.numpy as jnp
import numpy as np

VOCAB = 1000000
EMBED_DIM = 64
MAX_SEQ = 512
BATCH = 4096
SEQ = 200


def setup_inputs(seed: int = 0) -> dict:
    key = jax.random.key(seed)
    k1, k2, k3 = jax.random.split(key, 3)
    input_ids = jax.random.randint(k1, (BATCH, SEQ), 0, VOCAB, dtype=jnp.int64 if jax.config.read('jax_enable_x64') else jnp.int32)
    token_table = jax.random.normal(k2, (VOCAB, EMBED_DIM), dtype=jnp.float32) * 0.02
    position_table = jax.random.normal(k3, (MAX_SEQ, EMBED_DIM), dtype=jnp.float32) * 0.02
    return {"input_ids": input_ids, "token_table": token_table, "position_table": position_table}


def reference(input_ids, token_table, position_table):
    # Faithful translation of TokenPositionEmbedding.forward (dropout is identity in eval mode)
    seq_len = input_ids.shape[1]
    positions = jnp.arange(seq_len)[None, :]  # [1, S]
    tok_emb = jnp.take(token_table, input_ids, axis=0)          # [B, S, D]
    pos_emb = jnp.take(position_table, positions, axis=0)        # [1, S, D]
    embeddings = tok_emb + pos_emb
    return embeddings

if __name__ == "__main__":
    import jax
    _d = setup_inputs()
    print(jax.jit(kernel)(*tuple(_d.values())))

</pallas_src>

<mosaic_0001>
#map = affine_map<(d0, d1) -> (0)>
#map1 = affine_map<(d0, d1) -> (0, 0)>
module attributes {stable_mosaic.version = 14 : i64} {
  func.func @run(%arg0: i32, %arg1: i32, %arg2: memref<819200xi32, #tpu.memory_space<hbm>>, %arg3: memref<1000000x64xf32, #tpu.memory_space<hbm>>, %arg4: memref<712x64xf32, #tpu.memory_space<hbm>>, %arg5: memref<819200x128xf32, #tpu.memory_space<hbm>>, %arg6: memref<512xi32, #tpu.memory_space<vmem>>, %arg7: memref<512xi32, #tpu.memory_space<vmem>>, %arg8: memref<512x64xf32, #tpu.memory_space<vmem>>, %arg9: memref<512x64xf32, #tpu.memory_space<vmem>>, %arg10: memref<712x64xf32, #tpu.memory_space<vmem>>, %arg11: memref<!tpu.dma_semaphore, #tpu.memory_space<semaphore_mem>>, %arg12: memref<!tpu.dma_semaphore, #tpu.memory_space<semaphore_mem>>, %arg13: memref<!tpu.dma_semaphore, #tpu.memory_space<semaphore_mem>>, %arg14: memref<!tpu.dma_semaphore, #tpu.memory_space<semaphore_mem>>, %arg15: memref<!tpu.dma_semaphore, #tpu.memory_space<semaphore_mem>>, %arg16: memref<!tpu.dma_semaphore, #tpu.memory_space<semaphore_mem>>) attributes {dimension_semantics = [#tpu.dimension_semantics<core_parallel>, #tpu.dimension_semantics<subcore_parallel>], iteration_bounds = array<i64: 2, 16>, scalar_prefetch = 0 : i64, scratch_operands = 11 : i64, tpu.core_type = #tpu.core_type<sc_vector_subcore>, window_params = [{transform_indices = #map}, {transform_indices = #map1}, {transform_indices = #map1}, {transform_indices = #map1}]} {
    %mul3A = arith.constant 2 : i32
    %mul3A_0 = arith.muli %arg1, %mul3A : i32
    %add3A = arith.addi %mul3A_0, %arg0 : i32
    %mul3A_1 = arith.constant 25600 : i32
    %mul3A_2 = arith.muli %add3A, %mul3A_1 : i32
    "tpu.region"() ({
      %run_scoped3A = tpu.sem_alloc : memref<!tpu.dma_semaphore, #tpu.memory_space<semaphore_mem>>
      tpu.enqueue_dma source(%arg4 : memref<712x64xf32, #tpu.memory_space<hbm>>) target(%arg10 : memref<712x64xf32, #tpu.memory_space<vmem>>) target_semaphore(%run_scoped3A : memref<!tpu.dma_semaphore, #tpu.memory_space<semaphore_mem>>)
      tpu.wait_dma2 semaphore(%run_scoped3A : memref<!tpu.dma_semaphore, #tpu.memory_space<semaphore_mem>>) src(%arg4 : memref<712x64xf32, #tpu.memory_space<hbm>>) dst(%arg10 : memref<712x64xf32, #tpu.memory_space<vmem>>)
      tpu.yield
    }) : () -> ()
    "tpu.region"() ({
      %run_scoped3A = tpu.sem_alloc : memref<!tpu.dma_semaphore, #tpu.memory_space<semaphore_mem>>
      %dma_start3A_25 = tpu.memref_slice %arg2[%mul3A_2] : memref<819200xi32, #tpu.memory_space<hbm>> -> memref<512xi32, #tpu.memory_space<hbm>>
      %dma_start3A_26 = tpu.memref_slice %arg2[%mul3A_2] : memref<819200xi32, #tpu.memory_space<hbm>> -> memref<512xi32, #tpu.memory_space<hbm>>
      tpu.enqueue_dma source(%dma_start3A_26 : memref<512xi32, #tpu.memory_space<hbm>>) target(%arg6 : memref<512xi32, #tpu.memory_space<vmem>>) target_semaphore(%run_scoped3A : memref<!tpu.dma_semaphore, #tpu.memory_space<semaphore_mem>>)
      %dma_wait3A_27 = tpu.memref_slice %arg2[%mul3A_2] : memref<819200xi32, #tpu.memory_space<hbm>> -> memref<512xi32, #tpu.memory_space<hbm>>
      %dma_wait3A_28 = tpu.memref_slice %arg2[%mul3A_2] : memref<819200xi32, #tpu.memory_space<hbm>> -> memref<512xi32, #tpu.memory_space<hbm>>
      tpu.wait_dma2 semaphore(%run_scoped3A : memref<!tpu.dma_semaphore, #tpu.memory_space<semaphore_mem>>) src(%dma_wait3A_28 : memref<512xi32, #tpu.memory_space<hbm>>) dst(%arg6 : memref<512xi32, #tpu.memory_space<vmem>>)
      tpu.yield
    }) : () -> ()
    %dma_start3A = arith.constant 0 : i32
    %dma_start3A_3 = arith.constant 0 : i32
    %dma_start3A_4 = tpu.memref_slice %arg3[%dma_start3A, %dma_start3A_3] : memref<1000000x64xf32, #tpu.memory_space<hbm>> -> memref<1000000x64xf32, #tpu.memory_space<hbm>>
    tpu.enqueue_indirect_dma source(%dma_start3A_4 : memref<1000000x64xf32, #tpu.memory_space<hbm>>) target(%arg8 : memref<512x64xf32, #tpu.memory_space<vmem>>) offsets(%arg6 : memref<512xi32, #tpu.memory_space<vmem>>) semaphore(%arg11 : memref<!tpu.dma_semaphore, #tpu.memory_space<semaphore_mem>>)
    %add3A_5 = arith.constant 512 : i32
    %add3A_6 = arith.addi %mul3A_2, %add3A_5 : i32
    %dma_start3A_7 = tpu.memref_slice %arg2[%add3A_6] : memref<819200xi32, #tpu.memory_space<hbm>> -> memref<512xi32, #tpu.memory_space<hbm>>
    %dma_start3A_8 = tpu.memref_slice %arg2[%add3A_6] : memref<819200xi32, #tpu.memory_space<hbm>> -> memref<512xi32, #tpu.memory_space<hbm>>
    tpu.enqueue_dma source(%dma_start3A_8 : memref<512xi32, #tpu.memory_space<hbm>>) target(%arg7 : memref<512xi32, #tpu.memory_space<vmem>>) target_semaphore(%arg14 : memref<!tpu.dma_semaphore, #tpu.memory_space<semaphore_mem>>)
    %scan3A = arith.constant 0 : i32
    %scan3A_9 = arith.constant 0 : i32
    %scan3A_10 = arith.constant 25 : i32
    %scan3A_11 = arith.addi %scan3A_9, %scan3A_10 : i32
    %scan3A_12 = arith.constant 1 : i32
    scf.for %scan3A_25 = %scan3A_9 to %scan3A_11 step %scan3A_12  : i32 {
      %mul3A_26 = arith.constant 2 : i32
      %mul3A_27 = arith.muli %mul3A_26, %scan3A_25 : i32
      %dma_wait3A_28 = arith.constant 0 : i32
      %dma_wait3A_29 = arith.constant 0 : i32
      %dma_wait3A_30 = tpu.memref_slice %arg3[%dma_wait3A_28, %dma_wait3A_29] : memref<1000000x64xf32, #tpu.memory_space<hbm>> -> memref<1000000x64xf32, #tpu.memory_space<hbm>>
      tpu.wait_indirect_dma semaphore(%arg11 : memref<!tpu.dma_semaphore, #tpu.memory_space<semaphore_mem>>) src(%dma_wait3A_30 : memref<1000000x64xf32, #tpu.memory_space<hbm>>) dst(%arg8 : memref<512x64xf32, #tpu.memory_space<vmem>>)
      %add3A_31 = arith.constant 1 : i32
      %add3A_32 = arith.addi %mul3A_27, %add3A_31 : i32
      %lt3A = arith.constant 50 : i32
      %lt3A_33 = arith.cmpi slt, %add3A_32, %lt3A : i32
      %convert_element_type3A = arith.extui %lt3A_33 : i1 to i32
      %cond3A = arith.constant 0 : i32
      %cond3A_34 = arith.cmpi ne, %convert_element_type3A, %cond3A : i32
      scf.if %cond3A_34 {
        %ge3A = arith.constant 1 : i32
        %ge3A_92 = arith.cmpi sge, %mul3A_27, %ge3A : i32
        %convert_element_type3A_93 = arith.extui %ge3A_92 : i1 to i32
        %cond3A_94 = arith.constant 0 : i32
        %cond3A_95 = arith.cmpi ne, %convert_element_type3A_93, %cond3A_94 : i32
        scf.if %cond3A_95 {
          %dma_wait3A_103 = arith.constant 0 : i32
          %dma_wait3A_104 = arith.constant 0 : i32
          %dma_wait3A_105 = tpu.memref_slice %arg5[%dma_wait3A_103, %dma_wait3A_104] : memref<819200x128xf32, #tpu.memory_space<hbm>> -> memref<512x64xf32, #tpu.memory_space<hbm>>
          %dma_wait3A_106 = arith.constant 0 : i32
          %dma_wait3A_107 = arith.constant 0 : i32
          %dma_wait3A_108 = tpu.memref_slice %arg5[%dma_wait3A_106, %dma_wait3A_107] : memref<819200x128xf32, #tpu.memory_space<hbm>> -> memref<512x64xf32, #tpu.memory_space<hbm>>
          tpu.wait_dma2 semaphore(%arg16 : memref<!tpu.dma_semaphore, #tpu.memory_space<semaphore_mem>>) src(%arg9 : memref<512x64xf32, #tpu.memory_space<vmem>>) dst(%dma_wait3A_108 : memref<512x64xf32, #tpu.memory_space<hbm>>)
        } else {
        }
        %dma_wait3A_96 = arith.constant 0 : i32
        %dma_wait3A_97 = tpu.memref_slice %arg2[%dma_wait3A_96] : memref<819200xi32, #tpu.memory_space<hbm>> -> memref<512xi32, #tpu.memory_space<hbm>>
        %dma_wait3A_98 = arith.constant 0 : i32
        %dma_wait3A_99 = tpu.memref_slice %arg2[%dma_wait3A_98] : memref<819200xi32, #tpu.memory_space<hbm>> -> memref<512xi32, #tpu.memory_space<hbm>>
        tpu.wait_dma2 semaphore(%arg14 : memref<!tpu.dma_semaphore, #tpu.memory_space<semaphore_mem>>) src(%dma_wait3A_99 : memref<512xi32, #tpu.memory_space<hbm>>) dst(%arg7 : memref<512xi32, #tpu.memory_space<vmem>>)
        %dma_start3A_100 = arith.constant 0 : i32
        %dma_start3A_101 = arith.constant 0 : i32
        %dma_start3A_102 = tpu.memref_slice %arg3[%dma_start3A_100, %dma_start3A_101] : memref<1000000x64xf32, #tpu.memory_space<hbm>> -> memref<1000000x64xf32, #tpu.memory_space<hbm>>
        tpu.enqueue_indirect_dma source(%dma_start3A_102 : memref<1000000x64xf32, #tpu.memory_space<hbm>>) target(%arg9 : memref<512x64xf32, #tpu.memory_space<vmem>>) offsets(%arg7 : memref<512xi32, #tpu.memory_space<vmem>>) semaphore(%arg12 : memref<!tpu.dma_semaphore, #tpu.memory_space<semaphore_mem>>)
      } else {
      }
      %add3A_35 = arith.constant 2 : i32
      %add3A_36 = arith.addi %mul3A_27, %add3A_35 : i32
      %lt3A_37 = arith.constant 50 : i32
      %lt3A_38 = arith.cmpi slt, %add3A_36, %lt3A_37 : i32
      %convert_element_type3A_39 = arith.extui %lt3A_38 : i1 to i32
      %cond3A_40 = arith.constant 0 : i32
      %cond3A_41 = arith.cmpi ne, %convert_element_type3A_39, %cond3A_40 : i32
      scf.if %cond3A_41 {
        %add3A_92 = arith.constant 2 : i32
        %add3A_93 = arith.addi %mul3A_27, %add3A_92 : i32
        %mul3A_94 = arith.constant 512 : i32
        %mul3A_95 = arith.muli %add3A_93, %mul3A_94 : i32
        %add3A_96 = arith.addi %mul3A_2, %mul3A_95 : i32
        %dma_start3A_97 = tpu.memref_slice %arg2[%add3A_96] : memref<819200xi32, #tpu.memory_space<hbm>> -> memref<512xi32, #tpu.memory_space<hbm>>
        %dma_start3A_98 = tpu.memref_slice %arg2[%add3A_96] : memref<819200xi32, #tpu.memory_space<hbm>> -> memref<512xi32, #tpu.memory_space<hbm>>
        tpu.enqueue_dma source(%dma_start3A_98 : memref<512xi32, #tpu.memory_space<hbm>>) target(%arg6 : memref<512xi32, #tpu.memory_space<vmem>>) target_semaphore(%arg13 : memref<!tpu.dma_semaphore, #tpu.memory_space<semaphore_mem>>)
      } else {
      }
      %mul3A_42 = arith.constant 512 : i32
      %mul3A_43 = arith.muli %mul3A_27, %mul3A_42 : i32
      %add3A_44 = arith.addi %mul3A_2, %mul3A_43 : i32
      %rem3A = arith.constant 200 : i32
      %rem3A_45 = arith.remsi %add3A_44, %rem3A : i32
      %scan3A_46 = arith.constant 0 : i32
      %scan3A_47 = arith.constant 0 : i32
      %scan3A_48 = arith.constant 512 : i32
      %scan3A_49 = arith.addi %scan3A_47, %scan3A_48 : i32
      %scan3A_50 = arith.constant 8 : i32
      scf.for %scan3A_92 = %scan3A_47 to %scan3A_49 step %scan3A_50  : i32 {
        %add3A_93 = arith.addi %rem3A_45, %scan3A_92 : i32
        %get3A = arith.index_cast %add3A_93 : i32 to index
        %get3A_94 = arith.constant 0 : index
        %get3A_95 = tpu.vector_load %arg10[%get3A, %get3A_94] {strides = array<i32>} : memref<712x64xf32, #tpu.memory_space<vmem>>, vector<1x16xf32>,
        %get3A_96 = vector.shape_cast %get3A_95 : vector<1x16xf32> to vector<16xf32>
        %swap3A = arith.index_cast %scan3A_92 : i32 to index
        %swap3A_97 = arith.constant 0 : index
        %swap3A_98 = tpu.vector_load %arg8[%swap3A, %swap3A_97] {strides = array<i32>} : memref<512x64xf32, #tpu.memory_space<vmem>>, vector<1x16xf32>,
        %swap3A_99 = vector.shape_cast %swap3A_98 : vector<1x16xf32> to vector<16xf32>
        %swap3A_100 = vector.shape_cast %get3A_96 : vector<16xf32> to vector<1x16xf32>
        tpu.vector_store %arg8[%swap3A, %swap3A_97], %swap3A_100 {add = true, strides = array<i32>} : memref<512x64xf32, #tpu.memory_space<vmem>>, vector<1x16xf32>,
        %get3A_101 = arith.index_cast %add3A_93 : i32 to index
        %get3A_102 = arith.constant 16 : index
        %get3A_103 = tpu.vector_load %arg10[%get3A_101, %get3A_102] {strides = array<i32>} : memref<712x64xf32, #tpu.memory_space<vmem>>, vector<1x16xf32>,
        %get3A_104 = vector.shape_cast %get3A_103 : vector<1x16xf32> to vector<16xf32>
        %swap3A_105 = arith.index_cast %scan3A_92 : i32 to index
        %swap3A_106 = arith.constant 16 : index
        %swap3A_107 = tpu.vector_load %arg8[%swap3A_105, %swap3A_106] {strides = array<i32>} : memref<512x64xf32, #tpu.memory_space<vmem>>, vector<1x16xf32>,
        %swap3A_108 = vector.shape_cast %swap3A_107 : vector<1x16xf32> to vector<16xf32>
        %swap3A_109 = vector.shape_cast %get3A_104 : vector<16xf32> to vector<1x16xf32>
        tpu.vector_store %arg8[%swap3A_105, %swap3A_106], %swap3A_109 {add = true, strides = array<i32>} : memref<512x64xf32, #tpu.memory_space<vmem>>, vector<1x16xf32>,
        %get3A_110 = arith.index_cast %add3A_93 : i32 to index
        %get3A_111 = arith.constant 32 : index
        %get3A_112 = tpu.vector_load %arg10[%get3A_110, %get3A_111] {strides = array<i32>} : memref<712x64xf32, #tpu.memory_space<vmem>>, vector<1x16xf32>,
        %get3A_113 = vector.shape_cast %get3A_112 : vector<1x16xf32> to vector<16xf32>
        %swap3A_114 = arith.index_cast %scan3A_92 : i32 to index
        %swap3A_115 = arith.constant 32 : index
        %swap3A_116 = tpu.vector_load %arg8[%swap3A_114, %swap3A_115] {strides = array<i32>} : memref<512x64xf32, #tpu.memory_space<vmem>>, vector<1x16xf32>,
        %swap3A_117 = vector.shape_cast %swap3A_116 : vector<1x16xf32> to vector<16xf32>
        %swap3A_118 = vector.shape_cast %get3A_113 : vector<16xf32> to vector<1x16xf32>
        tpu.vector_store %arg8[%swap3A_114, %swap3A_115], %swap3A_118 {add = true, strides = array<i32>} : memref<512x64xf32, #tpu.memory_space<vmem>>, vector<1x16xf32>,
        %get3A_119 = arith.index_cast %add3A_93 : i32 to index
        %get3A_120 = arith.constant 48 : index
        %get3A_121 = tpu.vector_load %arg10[%get3A_119, %get3A_120] {strides = array<i32>} : memref<712x64xf32, #tpu.memory_space<vmem>>, vector<1x16xf32>,
        %get3A_122 = vector.shape_cast %get3A_121 : vector<1x16xf32> to vector<16xf32>
        %swap3A_123 = arith.index_cast %scan3A_92 : i32 to index
        %swap3A_124 = arith.constant 48 : index
        %swap3A_125 = tpu.vector_load %arg8[%swap3A_123, %swap3A_124] {strides = array<i32>} : memref<512x64xf32, #tpu.memory_space<vmem>>, vector<1x16xf32>,
        %swap3A_126 = vector.shape_cast %swap3A_125 : vector<1x16xf32> to vector<16xf32>
        %swap3A_127 = vector.shape_cast %get3A_122 : vector<16xf32> to vector<1x16xf32>
        tpu.vector_store %arg8[%swap3A_123, %swap3A_124], %swap3A_127 {add = true, strides = array<i32>} : memref<512x64xf32, #tpu.memory_space<vmem>>, vector<1x16xf32>,
        %scan3A_128 = arith.constant 1 : i32
        %scan3A_129 = arith.addi %scan3A_92, %scan3A_128 : i32
        %add3A_130 = arith.addi %rem3A_45, %scan3A_129 : i32
        %get3A_131 = arith.index_cast %add3A_130 : i32 to index
        %get3A_132 = arith.constant 0 : index
        %get3A_133 = tpu.vector_load %arg10[%get3A_131, %get3A_132] {strides = array<i32>} : memref<712x64xf32, #tpu.memory_space<vmem>>, vector<1x16xf32>,
        %get3A_134 = vector.shape_cast %get3A_133 : vector<1x16xf32> to vector<16xf32>
        %swap3A_135 = arith.index_cast %scan3A_129 : i32 to index
        %swap3A_136 = arith.constant 0 : index
        %swap3A_137 = tpu.vector_load %arg8[%swap3A_135, %swap3A_136] {strides = array<i32>} : memref<512x64xf32, #tpu.memory_space<vmem>>, vector<1x16xf32>,
        %swap3A_138 = vector.shape_cast %swap3A_137 : vector<1x16xf32> to vector<16xf32>
        %swap3A_139 = vector.shape_cast %get3A_134 : vector<16xf32> to vector<1x16xf32>
        tpu.vector_store %arg8[%swap3A_135, %swap3A_136], %swap3A_139 {add = true, strides = array<i32>} : memref<512x64xf32, #tpu.memory_space<vmem>>, vector<1x16xf32>,
        %get3A_140 = arith.index_cast %add3A_130 : i32 to index
        %get3A_141 = arith.constant 16 : index
        %get3A_142 = tpu.vector_load %arg10[%get3A_140, %get3A_141] {strides = array<i32>} : memref<712x64xf32, #tpu.memory_space<vmem>>, vector<1x16xf32>,
        %get3A_143 = vector.shape_cast %get3A_142 : vector<1x16xf32> to vector<16xf32>
        %swap3A_144 = arith.index_cast %scan3A_129 : i32 to index
        %swap3A_145 = arith.constant 16 : index
        %swap3A_146 = tpu.vector_load %arg8[%swap3A_144, %swap3A_145] {strides = array<i32>} : memref<512x64xf32, #tpu.memory_space<vmem>>, vector<1x16xf32>,
        %swap3A_147 = vector.shape_cast %swap3A_146 : vector<1x16xf32> to vector<16xf32>
        %swap3A_148 = vector.shape_cast %get3A_143 : vector<16xf32> to vector<1x16xf32>
        tpu.vector_store %arg8[%swap3A_144, %swap3A_145], %swap3A_148 {add = true, strides = array<i32>} : memref<512x64xf32, #tpu.memory_space<vmem>>, vector<1x16xf32>,
        %get3A_149 = arith.index_cast %add3A_130 : i32 to index
        %get3A_150 = arith.constant 32 : index
        %get3A_151 = tpu.vector_load %arg10[%get3A_149, %get3A_150] {strides = array<i32>} : memref<712x64xf32, #tpu.memory_space<vmem>>, vector<1x16xf32>,
        %get3A_152 = vector.shape_cast %get3A_151 : vector<1x16xf32> to vector<16xf32>
        %swap3A_153 = arith.index_cast %scan3A_129 : i32 to index
        %swap3A_154 = arith.constant 32 : index
        %swap3A_155 = tpu.vector_load %arg8[%swap3A_153, %swap3A_154] {strides = array<i32>} : memref<512x64xf32, #tpu.memory_space<vmem>>, vector<1x16xf32>,
        %swap3A_156 = vector.shape_cast %swap3A_155 : vector<1x16xf32> to vector<16xf32>
        %swap3A_157 = vector.shape_cast %get3A_152 : vector<16xf32> to vector<1x16xf32>
        tpu.vector_store %arg8[%swap3A_153, %swap3A_154], %swap3A_157 {add = true, strides = array<i32>} : memref<512x64xf32, #tpu.memory_space<vmem>>, vector<1x16xf32>,
        %get3A_158 = arith.index_cast %add3A_130 : i32 to index
        %get3A_159 = arith.constant 48 : index
        %get3A_160 = tpu.vector_load %arg10[%get3A_158, %get3A_159] {strides = array<i32>} : memref<712x64xf32, #tpu.memory_space<vmem>>, vector<1x16xf32>,
        %get3A_161 = vector.shape_cast %get3A_160 : vector<1x16xf32> to vector<16xf32>
        %swap3A_162 = arith.index_cast %scan3A_129 : i32 to index
        %swap3A_163 = arith.constant 48 : index
        %swap3A_164 = tpu.vector_load %arg8[%swap3A_162, %swap3A_163] {strides = array<i32>} : memref<512x64xf32, #tpu.memory_space<vmem>>, vector<1x16xf32>,
        %swap3A_165 = vector.shape_cast %swap3A_164 : vector<1x16xf32> to vector<16xf32>
        %swap3A_166 = vector.shape_cast %get3A_161 : vector<16xf32> to vector<1x16xf32>
        tpu.vector_store %arg8[%swap3A_162, %swap3A_163], %swap3A_166 {add = true, strides = array<i32>} : memref<512x64xf32, #tpu.memory_space<vmem>>, vector<1x16xf32>,
        %scan3A_167 = arith.constant 2 : i32
        %scan3A_168 = arith.addi %scan3A_92, %scan3A_167 : i32
        %add3A_169 = arith.addi %rem3A_45, %scan3A_168 : i32
        %get3A_170 = arith.index_cast %add3A_169 : i32 to index
        %get3A_171 = arith.constant 0 : index
        %get3A_172 = tpu.vector_load %arg10[%get3A_170, %get3A_171] {strides = array<i32>} : memref<712x64xf32, #tpu.memory_space<vmem>>, vector<1x16xf32>,
        %get3A_173 = vector.shape_cast %get3A_172 : vector<1x16xf32> to vector<16xf32>
        %swap3A_174 = arith.index_cast %scan3A_168 : i32 to index
        %swap3A_175 = arith.constant 0 : index
        %swap3A_176 = tpu.vector_load %arg8[%swap3A_174, %swap3A_175] {strides = array<i32>} : memref<512x64xf32, #tpu.memory_space<vmem>>, vector<1x16xf32>,
        %swap3A_177 = vector.shape_cast %swap3A_176 : vector<1x16xf32> to vector<16xf32>
        %swap3A_178 = vector.shape_cast %get3A_173 : vector<16xf32> to vector<1x16xf32>
        tpu.vector_store %arg8[%swap3A_174, %swap3A_175], %swap3A_178 {add = true, strides = array<i32>} : memref<512x64xf32, #tpu.memory_space<vmem>>, vector<1x16xf32>,
        %get3A_179 = arith.index_cast %add3A_169 : i32 to index
        %get3A_180 = arith.constant 16 : index
        %get3A_181 = tpu.vector_load %arg10[%get3A_179, %get3A_180] {strides = array<i32>} : memref<712x64xf32, #tpu.memory_space<vmem>>, vector<1x16xf32>,
        %get3A_182 = vector.shape_cast %get3A_181 : vector<1x16xf32> to vector<16xf32>
        %swap3A_183 = arith.index_cast %scan3A_168 : i32 to index
        %swap3A_184 = arith.constant 16 : index
        %swap3A_185 = tpu.vector_load %arg8[%swap3A_183, %swap3A_184] {strides = array<i32>} : memref<512x64xf32, #tpu.memory_space<vmem>>, vector<1x16xf32>,
        %swap3A_186 = vector.shape_cast %swap3A_185 : vector<1x16xf32> to vector<16xf32>
        %swap3A_187 = vector.shape_cast %get3A_182 : vector<16xf32> to vector<1x16xf32>
        tpu.vector_store %arg8[%swap3A_183, %swap3A_184], %swap3A_187 {add = true, strides = array<i32>} : memref<512x64xf32, #tpu.memory_space<vmem>>, vector<1x16xf32>,
        %get3A_188 = arith.index_cast %add3A_169 : i32 to index
        %get3A_189 = arith.constant 32 : index
        %get3A_190 = tpu.vector_load %arg10[%get3A_188, %get3A_189] {strides = array<i32>} : memref<712x64xf32, #tpu.memory_space<vmem>>, vector<1x16xf32>,
        %get3A_191 = vector.shape_cast %get3A_190 : vector<1x16xf32> to vector<16xf32>
        %swap3A_192 = arith.index_cast %scan3A_168 : i32 to index
        %swap3A_193 = arith.constant 32 : index
        %swap3A_194 = tpu.vector_load %arg8[%swap3A_192, %swap3A_193] {strides = array<i32>} : memref<512x64xf32, #tpu.memory_space<vmem>>, vector<1x16xf32>,
        %swap3A_195 = vector.shape_cast %swap3A_194 : vector<1x16xf32> to vector<16xf32>
        %swap3A_196 = vector.shape_cast %get3A_191 : vector<16xf32> to vector<1x16xf32>
        tpu.vector_store %arg8[%swap3A_192, %swap3A_193], %swap3A_196 {add = true, strides = array<i32>} : memref<512x64xf32, #tpu.memory_space<vmem>>, vector<1x16xf32>,
        %get3A_197 = arith.index_cast %add3A_169 : i32 to index
        %get3A_198 = arith.constant 48 : index
        %get3A_199 = tpu.vector_load %arg10[%get3A_197, %get3A_198] {strides = array<i32>} : memref<712x64xf32, #tpu.memory_space<vmem>>, vector<1x16xf32>,
        %get3A_200 = vector.shape_cast %get3A_199 : vector<1x16xf32> to vector<16xf32>
        %swap3A_201 = arith.index_cast %scan3A_168 : i32 to index
        %swap3A_202 = arith.constant 48 : index
        %swap3A_203 = tpu.vector_load %arg8[%swap3A_201, %swap3A_202] {strides = array<i32>} : memref<512x64xf32, #tpu.memory_space<vmem>>, vector<1x16xf32>,
        %swap3A_204 = vector.shape_cast %swap3A_203 : vector<1x16xf32> to vector<16xf32>
        %swap3A_205 = vector.shape_cast %get3A_200 : vector<16xf32> to vector<1x16xf32>
        tpu.vector_store %arg8[%swap3A_201, %swap3A_202], %swap3A_205 {add = true, strides = array<i32>} : memref<512x64xf32, #tpu.memory_space<vmem>>, vector<1x16xf32>,
        %scan3A_206 = arith.constant 3 : i32
        %scan3A_207 = arith.addi %scan3A_92, %scan3A_206 : i32
        %add3A_208 = arith.addi %rem3A_45, %scan3A_207 : i32
        %get3A_209 = arith.index_cast %add3A_208 : i32 to index
        %get3A_210 = arith.constant 0 : index
        %get3A_211 = tpu.vector_load %arg10[%get3A_209, %get3A_210] {strides = array<i32>} : memref<712x64xf32, #tpu.memory_space<vmem>>, vector<1x16xf32>,
        %get3A_212 = vector.shape_cast %get3A_211 : vector<1x16xf32> to vector<16xf32>
        %swap3A_213 = arith.index_cast %scan3A_207 : i32 to index
        %swap3A_214 = arith.constant 0 : index
        %swap3A_215 = tpu.vector_load %arg8[%swap3A_213, %swap3A_214] {strides = array<i32>} : memref<512x64xf32, #tpu.memory_space<vmem>>, vector<1x16xf32>,
        %swap3A_216 = vector.shape_cast %swap3A_215 : vector<1x16xf32> to vector<16xf32>
        %swap3A_217 = vector.shape_cast %get3A_212 : vector<16xf32> to vector<1x16xf32>
        tpu.vector_store %arg8[%swap3A_213, %swap3A_214], %swap3A_217 {add = true, strides = array<i32>} : memref<512x64xf32, #tpu.memory_space<vmem>>, vector<1x16xf32>,
        %get3A_218 = arith.index_cast %add3A_208 : i32 to index
        %get3A_219 = arith.constant 16 : index
        %get3A_220 = tpu.vector_load %arg10[%get3A_218, %get3A_219] {strides = array<i32>} : memref<712x64xf32, #tpu.memory_space<vmem>>, vector<1x16xf32>,
        %get3A_221 = vector.shape_cast %get3A_220 : vector<1x16xf32> to vector<16xf32>
        %swap3A_222 = arith.index_cast %scan3A_207 : i32 to index
        %swap3A_223 = arith.constant 16 : index
        %swap3A_224 = tpu.vector_load %arg8[%swap3A_222, %swap3A_223] {strides = array<i32>} : memref<512x64xf32, #tpu.memory_space<vmem>>, vector<1x16xf32>,
        %swap3A_225 = vector.shape_cast %swap3A_224 : vector<1x16xf32> to vector<16xf32>
        %swap3A_226 = vector.shape_cast %get3A_221 : vector<16xf32> to vector<1x16xf32>
        tpu.vector_store %arg8[%swap3A_222, %swap3A_223], %swap3A_226 {add = true, strides = array<i32>} : memref<512x64xf32, #tpu.memory_space<vmem>>, vector<1x16xf32>,
        %get3A_227 = arith.index_cast %add3A_208 : i32 to index
        %get3A_228 = arith.constant 32 : index
        %get3A_229 = tpu.vector_load %arg10[%get3A_227, %get3A_228] {strides = array<i32>} : memref<712x64xf32, #tpu.memory_space<vmem>>, vector<1x16xf32>,
        %get3A_230 = vector.shape_cast %get3A_229 : vector<1x16xf32> to vector<16xf32>
        %swap3A_231 = arith.index_cast %scan3A_207 : i32 to index
        %swap3A_232 = arith.constant 32 : index
        %swap3A_233 = tpu.vector_load %arg8[%swap3A_231, %swap3A_232] {strides = array<i32>} : memref<512x64xf32, #tpu.memory_space<vmem>>, vector<1x16xf32>,
        %swap3A_234 = vector.shape_cast %swap3A_233 : vector<1x16xf32> to vector<16xf32>
        %swap3A_235 = vector.shape_cast %get3A_230 : vector<16xf32> to vector<1x16xf32>
        tpu.vector_store %arg8[%swap3A_231, %swap3A_232], %swap3A_235 {add = true, strides = array<i32>} : memref<512x64xf32, #tpu.memory_space<vmem>>, vector<1x16xf32>,
        %get3A_236 = arith.index_cast %add3A_208 : i32 to index
        %get3A_237 = arith.constant 48 : index
        %get3A_238 = tpu.vector_load %arg10[%get3A_236, %get3A_237] {strides = array<i32>} : memref<712x64xf32, #tpu.memory_space<vmem>>, vector<1x16xf32>,
        %get3A_239 = vector.shape_cast %get3A_238 : vector<1x16xf32> to vector<16xf32>
        %swap3A_240 = arith.index_cast %scan3A_207 : i32 to index
        %swap3A_241 = arith.constant 48 : index
        %swap3A_242 = tpu.vector_load %arg8[%swap3A_240, %swap3A_241] {strides = array<i32>} : memref<512x64xf32, #tpu.memory_space<vmem>>, vector<1x16xf32>,
        %swap3A_243 = vector.shape_cast %swap3A_242 : vector<1x16xf32> to vector<16xf32>
        %swap3A_244 = vector.shape_cast %get3A_239 : vector<16xf32> to vector<1x16xf32>
        tpu.vector_store %arg8[%swap3A_240, %swap3A_241], %swap3A_244 {add = true, strides = array<i32>} : memref<512x64xf32, #tpu.memory_space<vmem>>, vector<1x16xf32>,
        %scan3A_245 = arith.constant 4 : i32
        %scan3A_246 = arith.addi %scan3A_92, %scan3A_245 : i32
        %add3A_247 = arith.addi %rem3A_45, %scan3A_246 : i32
        %get3A_248 = arith.index_cast %add3A_247 : i32 to index
        %get3A_249 = arith.constant 0 : index
        %get3A_250 = tpu.vector_load %arg10[%get3A_248, %get3A_249] {strides = array<i32>} : memref<712x64xf32, #tpu.memory_space<vmem>>, vector<1x16xf32>,
        %get3A_251 = vector.shape_cast %get3A_250 : vector<1x16xf32> to vector<16xf32>
        %swap3A_252 = arith.index_cast %scan3A_246 : i32 to index
        %swap3A_253 = arith.constant 0 : index
        %swap3A_254 = tpu.vector_load %arg8[%swap3A_252, %swap3A_253] {strides = array<i32>} : memref<512x64xf32, #tpu.memory_space<vmem>>, vector<1x16xf32>,
        %swap3A_255 = vector.shape_cast %swap3A_254 : vector<1x16xf32> to vector<16xf32>
        %swap3A_256 = vector.shape_cast %get3A_251 : vector<16xf32> to vector<1x16xf32>
        tpu.vector_store %arg8[%swap3A_252, %swap3A_253], %swap3A_256 {add = true, strides = array<i32>} : memref<512x64xf32, #tpu.memory_space<vmem>>, vector<1x16xf32>,
        %get3A_257 = arith.index_cast %add3A_247 : i32 to index
        %get3A_258 = arith.constant 16 : index
        %get3A_259 = tpu.vector_load %arg10[%get3A_257, %get3A_258] {strides = array<i32>} : memref<712x64xf32, #tpu.memory_space<vmem>>, vector<1x16xf32>,
        %get3A_260 = vector.shape_cast %get3A_259 : vector<1x16xf32> to vector<16xf32>
        %swap3A_261 = arith.index_cast %scan3A_246 : i32 to index
        %swap3A_262 = arith.constant 16 : index
        %swap3A_263 = tpu.vector_load %arg8[%swap3A_261, %swap3A_262] {strides = array<i32>} : memref<512x64xf32, #tpu.memory_space<vmem>>, vector<1x16xf32>,
        %swap3A_264 = vector.shape_cast %swap3A_263 : vector<1x16xf32> to vector<16xf32>
        %swap3A_265 = vector.shape_cast %get3A_260 : vector<16xf32> to vector<1x16xf32>
        tpu.vector_store %arg8[%swap3A_261, %swap3A_262], %swap3A_265 {add = true, strides = array<i32>} : memref<512x64xf32, #tpu.memory_space<vmem>>, vector<1x16xf32>,
        %get3A_266 = arith.index_cast %add3A_247 : i32 to index
        %get3A_267 = arith.constant 32 : index
        %get3A_268 = tpu.vector_load %arg10[%get3A_266, %get3A_267] {strides = array<i32>} : memref<712x64xf32, #tpu.memory_space<vmem>>, vector<1x16xf32>,
        %get3A_269 = vector.shape_cast %get3A_268 : vector<1x16xf32> to vector<16xf32>
        %swap3A_270 = arith.index_cast %scan3A_246 : i32 to index
        %swap3A_271 = arith.constant 32 : index
        %swap3A_272 = tpu.vector_load %arg8[%swap3A_270, %swap3A_271] {strides = array<i32>} : memref<512x64xf32, #tpu.memory_space<vmem>>, vector<1x16xf32>,
        %swap3A_273 = vector.shape_cast %swap3A_272 : vector<1x16xf32> to vector<16xf32>
        %swap3A_274 = vector.shape_cast %get3A_269 : vector<16xf32> to vector<1x16xf32>
        tpu.vector_store %arg8[%swap3A_270, %swap3A_271], %swap3A_274 {add = true, strides = array<i32>} : memref<512x64xf32, #tpu.memory_space<vmem>>, vector<1x16xf32>,
        %get3A_275 = arith.index_cast %add3A_247 : i32 to index
        %get3A_276 = arith.constant 48 : index
        %get3A_277 = tpu.vector_load %arg10[%get3A_275, %get3A_276] {strides = array<i32>} : memref<712x64xf32, #tpu.memory_space<vmem>>, vector<1x16xf32>,
        %get3A_278 = vector.shape_cast %get3A_277 : vector<1x16xf32> to vector<16xf32>
        %swap3A_279 = arith.index_cast %scan3A_246 : i32 to index
        %swap3A_280 = arith.constant 48 : index
        %swap3A_281 = tpu.vector_load %arg8[%swap3A_279, %swap3A_280] {strides = array<i32>} : memref<512x64xf32, #tpu.memory_space<vmem>>, vector<1x16xf32>,
        %swap3A_282 = vector.shape_cast %swap3A_281 : vector<1x16xf32> to vector<16xf32>
        %swap3A_283 = vector.shape_cast %get3A_278 : vector<16xf32> to vector<1x16xf32>
        tpu.vector_store %arg8[%swap3A_279, %swap3A_280], %swap3A_283 {add = true, strides = array<i32>} : memref<512x64xf32, #tpu.memory_space<vmem>>, vector<1x16xf32>,
        %scan3A_284 = arith.constant 5 : i32
        %scan3A_285 = arith.addi %scan3A_92, %scan3A_284 : i32
        %add3A_286 = arith.addi %rem3A_45, %scan3A_285 : i32
        %get3A_287 = arith.index_cast %add3A_286 : i32 to index
        %get3A_288 = arith.constant 0 : index
        %get3A_289 = tpu.vector_load %arg10[%get3A_287, %get3A_288] {strides = array<i32>} : memref<712x64xf32, #tpu.memory_space<vmem>>, vector<1x16xf32>,
        %get3A_290 = vector.shape_cast %get3A_289 : vector<1x16xf32> to vector<16xf32>
        %swap3A_291 = arith.index_cast %scan3A_285 : i32 to index
        %swap3A_292 = arith.constant 0 : index
        %swap3A_293 = tpu.vector_load %arg8[%swap3A_291, %swap3A_292] {strides = array<i32>} : memref<512x64xf32, #tpu.memory_space<vmem>>, vector<1x16xf32>,
        %swap3A_294 = vector.shape_cast %swap3A_293 : vector<1x16xf32> to vector<16xf32>
        %swap3A_295 = vector.shape_cast %get3A_290 : vector<16xf32> to vector<1x16xf32>
        tpu.vector_store %arg8[%swap3A_291, %swap3A_292], %swap3A_295 {add = true, strides = array<i32>} : memref<512x64xf32, #tpu.memory_space<vmem>>, vector<1x16xf32>,
        %get3A_296 = arith.index_cast %add3A_286 : i32 to index
        %get3A_297 = arith.constant 16 : index
        %get3A_298 = tpu.vector_load %arg10[%get3A_296, %get3A_297] {strides = array<i32>} : memref<712x64xf32, #tpu.memory_space<vmem>>, vector<1x16xf32>,
        %get3A_299 = vector.shape_cast %get3A_298 : vector<1x16xf32> to vector<16xf32>
        %swap3A_300 = arith.index_cast %scan3A_285 : i32 to index
        %swap3A_301 = arith.constant 16 : index
        %swap3A_302 = tpu.vector_load %arg8[%swap3A_300, %swap3A_301] {strides = array<i32>} : memref<512x64xf32, #tpu.memory_space<vmem>>, vector<1x16xf32>,
        %swap3A_303 = vector.shape_cast %swap3A_302 : vector<1x16xf32> to vector<16xf32>
        %swap3A_304 = vector.shape_cast %get3A_299 : vector<16xf32> to vector<1x16xf32>
        tpu.vector_store %arg8[%swap3A_300, %swap3A_301], %swap3A_304 {add = true, strides = array<i32>} : memref<512x64xf32, #tpu.memory_space<vmem>>, vector<1x16xf32>,
        %get3A_305 = arith.index_cast %add3A_286 : i32 to index
        %get3A_306 = arith.constant 32 : index
        %get3A_307 = tpu.vector_load %arg10[%get3A_305, %get3A_306] {strides = array<i32>} : memref<712x64xf32, #tpu.memory_space<vmem>>, vector<1x16xf32>,
        %get3A_308 = vector.shape_cast %get3A_307 : vector<1x16xf32> to vector<16xf32>
        %swap3A_309 = arith.index_cast %scan3A_285 : i32 to index
        %swap3A_310 = arith.constant 32 : index
        %swap3A_311 = tpu.vector_load %arg8[%swap3A_309, %swap3A_310] {strides = array<i32>} : memref<512x64xf32, #tpu.memory_space<vmem>>, vector<1x16xf32>,
        %swap3A_312 = vector.shape_cast %swap3A_311 : vector<1x16xf32> to vector<16xf32>
        %swap3A_313 = vector.shape_cast %get3A_308 : vector<16xf32> to vector<1x16xf32>
        tpu.vector_store %arg8[%swap3A_309, %swap3A_310], %swap3A_313 {add = true, strides = array<i32>} : memref<512x64xf32, #tpu.memory_space<vmem>>, vector<1x16xf32>,
        %get3A_314 = arith.index_cast %add3A_286 : i32 to index
        %get3A_315 = arith.constant 48 : index
        %get3A_316 = tpu.vector_load %arg10[%get3A_314, %get3A_315] {strides = array<i32>} : memref<712x64xf32, #tpu.memory_space<vmem>>, vector<1x16xf32>,
        %get3A_317 = vector.shape_cast %get3A_316 : vector<1x16xf32> to vector<16xf32>
        %swap3A_318 = arith.index_cast %scan3A_285 : i32 to index
        %swap3A_319 = arith.constant 48 : index
        %swap3A_320 = tpu.vector_load %arg8[%swap3A_318, %swap3A_319] {strides = array<i32>} : memref<512x64xf32, #tpu.memory_space<vmem>>, vector<1x16xf32>,
        %swap3A_321 = vector.shape_cast %swap3A_320 : vector<1x16xf32> to vector<16xf32>
        %swap3A_322 = vector.shape_cast %get3A_317 : vector<16xf32> to vector<1x16xf32>
        tpu.vector_store %arg8[%swap3A_318, %swap3A_319], %swap3A_322 {add = true, strides = array<i32>} : memref<512x64xf32, #tpu.memory_space<vmem>>, vector<1x16xf32>,
        %scan3A_323 = arith.constant 6 : i32
        %scan3A_324 = arith.addi %scan3A_92, %scan3A_323 : i32
        %add3A_325 = arith.addi %rem3A_45, %scan3A_324 : i32
        %get3A_326 = arith.index_cast %add3A_325 : i32 to index
        %get3A_327 = arith.constant 0 : index
        %get3A_328 = tpu.vector_load %arg10[%get3A_326, %get3A_327] {strides = array<i32>} : memref<712x64xf32, #tpu.memory_space<vmem>>, vector<1x16xf32>,
        %get3A_329 = vector.shape_cast %get3A_328 : vector<1x16xf32> to vector<16xf32>
        %swap3A_330 = arith.index_cast %scan3A_324 : i32 to index
        %swap3A_331 = arith.constant 0 : index
        %swap3A_332 = tpu.vector_load %arg8[%swap3A_330, %swap3A_331] {strides = array<i32>} : memref<512x64xf32, #tpu.memory_space<vmem>>, vector<1x16xf32>,
        %swap3A_333 = vector.shape_cast %swap3A_332 : vector<1x16xf32> to vector<16xf32>
        %swap3A_334 = vector.shape_cast %get3A_329 : vector<16xf32> to vector<1x16xf32>
        tpu.vector_store %arg8[%swap3A_330, %swap3A_331], %swap3A_334 {add = true, strides = array<i32>} : memref<512x64xf32, #tpu.memory_space<vmem>>, vector<1x16xf32>,
        %get3A_335 = arith.index_cast %add3A_325 : i32 to index
        %get3A_336 = arith.constant 16 : index
        %get3A_337 = tpu.vector_load %arg10[%get3A_335, %get3A_336] {strides = array<i32>} : memref<712x64xf32, #tpu.memory_space<vmem>>, vector<1x16xf32>,
        %get3A_338 = vector.shape_cast %get3A_337 : vector<1x16xf32> to vector<16xf32>
        %swap3A_339 = arith.index_cast %scan3A_324 : i32 to index
        %swap3A_340 = arith.constant 16 : index
        %swap3A_341 = tpu.vector_load %arg8[%swap3A_339, %swap3A_340] {strides = array<i32>} : memref<512x64xf32, #tpu.memory_space<vmem>>, vector<1x16xf32>,
        %swap3A_342 = vector.shape_cast %swap3A_341 : vector<1x16xf32> to vector<16xf32>
        %swap3A_343 = vector.shape_cast %get3A_338 : vector<16xf32> to vector<1x16xf32>
        tpu.vector_store %arg8[%swap3A_339, %swap3A_340], %swap3A_343 {add = true, strides = array<i32>} : memref<512x64xf32, #tpu.memory_space<vmem>>, vector<1x16xf32>,
        %get3A_344 = arith.index_cast %add3A_325 : i32 to index
        %get3A_345 = arith.constant 32 : index
        %get3A_346 = tpu.vector_load %arg10[%get3A_344, %get3A_345] {strides = array<i32>} : memref<712x64xf32, #tpu.memory_space<vmem>>, vector<1x16xf32>,
        %get3A_347 = vector.shape_cast %get3A_346 : vector<1x16xf32> to vector<16xf32>
        %swap3A_348 = arith.index_cast %scan3A_324 : i32 to index
        %swap3A_349 = arith.constant 32 : index
        %swap3A_350 = tpu.vector_load %arg8[%swap3A_348, %swap3A_349] {strides = array<i32>} : memref<512x64xf32, #tpu.memory_space<vmem>>, vector<1x16xf32>,
        %swap3A_351 = vector.shape_cast %swap3A_350 : vector<1x16xf32> to vector<16xf32>
        %swap3A_352 = vector.shape_cast %get3A_347 : vector<16xf32> to vector<1x16xf32>
        tpu.vector_store %arg8[%swap3A_348, %swap3A_349], %swap3A_352 {add = true, strides = array<i32>} : memref<512x64xf32, #tpu.memory_space<vmem>>, vector<1x16xf32>,
        %get3A_353 = arith.index_cast %add3A_325 : i32 to index
        %get3A_354 = arith.constant 48 : index
        %get3A_355 = tpu.vector_load %arg10[%get3A_353, %get3A_354] {strides = array<i32>} : memref<712x64xf32, #tpu.memory_space<vmem>>, vector<1x16xf32>,
        %get3A_356 = vector.shape_cast %get3A_355 : vector<1x16xf32> to vector<16xf32>
        %swap3A_357 = arith.index_cast %scan3A_324 : i32 to index
        %swap3A_358 = arith.constant 48 : index
        %swap3A_359 = tpu.vector_load %arg8[%swap3A_357, %swap3A_358] {strides = array<i32>} : memref<512x64xf32, #tpu.memory_space<vmem>>, vector<1x16xf32>,
        %swap3A_360 = vector.shape_cast %swap3A_359 : vector<1x16xf32> to vector<16xf32>
        %swap3A_361 = vector.shape_cast %get3A_356 : vector<16xf32> to vector<1x16xf32>
        tpu.vector_store %arg8[%swap3A_357, %swap3A_358], %swap3A_361 {add = true, strides = array<i32>} : memref<512x64xf32, #tpu.memory_space<vmem>>, vector<1x16xf32>,
        %scan3A_362 = arith.constant 7 : i32
        %scan3A_363 = arith.addi %scan3A_92, %scan3A_362 : i32
        %add3A_364 = arith.addi %rem3A_45, %scan3A_363 : i32
        %get3A_365 = arith.index_cast %add3A_364 : i32 to index
        %get3A_366 = arith.constant 0 : index
        %get3A_367 = tpu.vector_load %arg10[%get3A_365, %get3A_366] {strides = array<i32>} : memref<712x64xf32, #tpu.memory_space<vmem>>, vector<1x16xf32>,
        %get3A_368 = vector.shape_cast %get3A_367 : vector<1x16xf32> to vector<16xf32>
        %swap3A_369 = arith.index_cast %scan3A_363 : i32 to index
        %swap3A_370 = arith.constant 0 : index
        %swap3A_371 = tpu.vector_load %arg8[%swap3A_369, %swap3A_370] {strides = array<i32>} : memref<512x64xf32, #tpu.memory_space<vmem>>, vector<1x16xf32>,
        %swap3A_372 = vector.shape_cast %swap3A_371 : vector<1x16xf32> to vector<16xf32>
        %swap3A_373 = vector.shape_cast %get3A_368 : vector<16xf32> to vector<1x16xf32>
        tpu.vector_store %arg8[%swap3A_369, %swap3A_370], %swap3A_373 {add = true, strides = array<i32>} : memref<512x64xf32, #tpu.memory_space<vmem>>, vector<1x16xf32>,
        %get3A_374 = arith.index_cast %add3A_364 : i32 to index
        %get3A_375 = arith.constant 16 : index
        %get3A_376 = tpu.vector_load %arg10[%get3A_374, %get3A_375] {strides = array<i32>} : memref<712x64xf32, #tpu.memory_space<vmem>>, vector<1x16xf32>,
        %get3A_377 = vector.shape_cast %get3A_376 : vector<1x16xf32> to vector<16xf32>
        %swap3A_378 = arith.index_cast %scan3A_363 : i32 to index
        %swap3A_379 = arith.constant 16 : index
        %swap3A_380 = tpu.vector_load %arg8[%swap3A_378, %swap3A_379] {strides = array<i32>} : memref<512x64xf32, #tpu.memory_space<vmem>>, vector<1x16xf32>,
        %swap3A_381 = vector.shape_cast %swap3A_380 : vector<1x16xf32> to vector<16xf32>
        %swap3A_382 = vector.shape_cast %get3A_377 : vector<16xf32> to vector<1x16xf32>
        tpu.vector_store %arg8[%swap3A_378, %swap3A_379], %swap3A_382 {add = true, strides = array<i32>} : memref<512x64xf32, #tpu.memory_space<vmem>>, vector<1x16xf32>,
        %get3A_383 = arith.index_cast %add3A_364 : i32 to index
        %get3A_384 = arith.constant 32 : index
        %get3A_385 = tpu.vector_load %arg10[%get3A_383, %get3A_384] {strides = array<i32>} : memref<712x64xf32, #tpu.memory_space<vmem>>, vector<1x16xf32>,
        %get3A_386 = vector.shape_cast %get3A_385 : vector<1x16xf32> to vector<16xf32>
        %swap3A_387 = arith.index_cast %scan3A_363 : i32 to index
        %swap3A_388 = arith.constant 32 : index
        %swap3A_389 = tpu.vector_load %arg8[%swap3A_387, %swap3A_388] {strides = array<i32>} : memref<512x64xf32, #tpu.memory_space<vmem>>, vector<1x16xf32>,
        %swap3A_390 = vector.shape_cast %swap3A_389 : vector<1x16xf32> to vector<16xf32>
        %swap3A_391 = vector.shape_cast %get3A_386 : vector<16xf32> to vector<1x16xf32>
        tpu.vector_store %arg8[%swap3A_387, %swap3A_388], %swap3A_391 {add = true, strides = array<i32>} : memref<512x64xf32, #tpu.memory_space<vmem>>, vector<1x16xf32>,
        %get3A_392 = arith.index_cast %add3A_364 : i32 to index
        %get3A_393 = arith.constant 48 : index
        %get3A_394 = tpu.vector_load %arg10[%get3A_392, %get3A_393] {strides = array<i32>} : memref<712x64xf32, #tpu.memory_space<vmem>>, vector<1x16xf32>,
        %get3A_395 = vector.shape_cast %get3A_394 : vector<1x16xf32> to vector<16xf32>
        %swap3A_396 = arith.index_cast %scan3A_363 : i32 to index
        %swap3A_397 = arith.constant 48 : index
        %swap3A_398 = tpu.vector_load %arg8[%swap3A_396, %swap3A_397] {strides = array<i32>} : memref<512x64xf32, #tpu.memory_space<vmem>>, vector<1x16xf32>,
        %swap3A_399 = vector.shape_cast %swap3A_398 : vector<1x16xf32> to vector<16xf32>
        %swap3A_400 = vector.shape_cast %get3A_395 : vector<16xf32> to vector<1x16xf32>
        tpu.vector_store %arg8[%swap3A_396, %swap3A_397], %swap3A_400 {add = true, strides = array<i32>} : memref<512x64xf32, #tpu.memory_space<vmem>>, vector<1x16xf32>,
      }
      %scan3A_51 = arith.constant 512 : i32
      %dma_start3A_52 = arith.constant 0 : i32
      %dma_start3A_53 = tpu.memref_slice %arg5[%add3A_44, %dma_start3A_52] : memref<819200x128xf32, #tpu.memory_space<hbm>> -> memref<512x64xf32, #tpu.memory_space<hbm>>
      %dma_start3A_54 = arith.constant 0 : i32
      %dma_start3A_55 = tpu.memref_slice %arg5[%add3A_44, %dma_start3A_54] : memref<819200x128xf32, #tpu.memory_space<hbm>> -> memref<512x64xf32, #tpu.memory_space<hbm>>
      tpu.enqueue_dma source(%arg8 : memref<512x64xf32, #tpu.memory_space<vmem>>) target(%dma_start3A_55 : memref<512x64xf32, #tpu.memory_space<hbm>>) target_semaphore(%arg15 : memref<!tpu.dma_semaphore, #tpu.memory_space<semaphore_mem>>)
      %mul3A_56 = arith.constant 2 : i32
      %mul3A_57 = arith.muli %mul3A_56, %scan3A_25 : i32
      %add3A_58 = arith.constant 1 : i32
      %add3A_59 = arith.addi %mul3A_57, %add3A_58 : i32
      %dma_wait3A_60 = arith.constant 0 : i32
      %dma_wait3A_61 = arith.constant 0 : i32
      %dma_wait3A_62 = tpu.memref_slice %arg3[%dma_wait3A_60, %dma_wait3A_61] : memref<1000000x64xf32, #tpu.memory_space<hbm>> -> memref<1000000x64xf32, #tpu.memory_space<hbm>>
      tpu.wait_indirect_dma semaphore(%arg12 : memref<!tpu.dma_semaphore, #tpu.memory_space<semaphore_mem>>) src(%dma_wait3A_62 : memref<1000000x64xf32, #tpu.memory_space<hbm>>) dst(%arg9 : memref<512x64xf32, #tpu.memory_space<vmem>>)
      %add3A_63 = arith.constant 1 : i32
      %add3A_64 = arith.addi %add3A_59, %add3A_63 : i32
      %lt3A_65 = arith.constant 50 : i32
      %lt3A_66 = arith.cmpi slt, %add3A_64, %lt3A_65 : i32
      %convert_element_type3A_67 = arith.extui %lt3A_66 : i1 to i32
      %cond3A_68 = arith.constant 0 : i32
      %cond3A_69 = arith.cmpi ne, %convert_element_type3A_67, %cond3A_68 : i32
      scf.if %cond3A_69 {
        %ge3A = arith.constant 1 : i32
        %ge3A_92 = arith.cmpi sge, %add3A_59, %ge3A : i32
        %convert_element_type3A_93 = arith.extui %ge3A_92 : i1 to i32
        %cond3A_94 = arith.constant 0 : i32
        %cond3A_95 = arith.cmpi ne, %convert_element_type3A_93, %cond3A_94 : i32
        scf.if %cond3A_95 {
          %dma_wait3A_103 = arith.constant 0 : i32
          %dma_wait3A_104 = arith.constant 0 : i32
          %dma_wait3A_105 = tpu.memref_slice %arg5[%dma_wait3A_103, %dma_wait3A_104] : memref<819200x128xf32, #tpu.memory_space<hbm>> -> memref<512x64xf32, #tpu.memory_space<hbm>>
          %dma_wait3A_106 = arith.constant 0 : i32
          %dma_wait3A_107 = arith.constant 0 : i32
          %dma_wait3A_108 = tpu.memref_slice %arg5[%dma_wait3A_106, %dma_wait3A_107] : memref<819200x128xf32, #tpu.memory_space<hbm>> -> memref<512x64xf32, #tpu.memory_space<hbm>>
          tpu.wait_dma2 semaphore(%arg15 : memref<!tpu.dma_semaphore, #tpu.memory_space<semaphore_mem>>) src(%arg8 : memref<512x64xf32, #tpu.memory_space<vmem>>) dst(%dma_wait3A_108 : memref<512x64xf32, #tpu.memory_space<hbm>>)
        } else {
        }
        %dma_wait3A_96 = arith.constant 0 : i32
        %dma_wait3A_97 = tpu.memref_slice %arg2[%dma_wait3A_96] : memref<819200xi32, #tpu.memory_space<hbm>> -> memref<512xi32, #tpu.memory_space<hbm>>
        %dma_wait3A_98 = arith.constant 0 : i32
        %dma_wait3A_99 = tpu.memref_slice %arg2[%dma_wait3A_98] : memref<819200xi32, #tpu.memory_space<hbm>> -> memref<512xi32, #tpu.memory_space<hbm>>
        tpu.wait_dma2 semaphore(%arg13 : memref<!tpu.dma_semaphore, #tpu.memory_space<semaphore_mem>>) src(%dma_wait3A_99 : memref<512xi32, #tpu.memory_space<hbm>>) dst(%arg6 : memref<512xi32, #tpu.memory_space<vmem>>)
        %dma_start3A_100 = arith.constant 0 : i32
        %dma_start3A_101 = arith.constant 0 : i32
        %dma_start3A_102 = tpu.memref_slice %arg3[%dma_start3A_100, %dma_start3A_101] : memref<1000000x64xf32, #tpu.memory_space<hbm>> -> memref<1000000x64xf32, #tpu.memory_space<hbm>>
        tpu.enqueue_indirect_dma source(%dma_start3A_102 : memref<1000000x64xf32, #tpu.memory_space<hbm>>) target(%arg8 : memref<512x64xf32, #tpu.memory_space<vmem>>) offsets(%arg6 : memref<512xi32, #tpu.memory_space<vmem>>) semaphore(%arg11 : memref<!tpu.dma_semaphore, #tpu.memory_space<semaphore_mem>>)
      } else {
      }
      %add3A_70 = arith.constant 2 : i32
      %add3A_71 = arith.addi %add3A_59, %add3A_70 : i32
      %lt3A_72 = arith.constant 50 : i32
      %lt3A_73 = arith.cmpi slt, %add3A_71, %lt3A_72 : i32
      %convert_element_type3A_74 = arith.extui %lt3A_73 : i1 to i32
      %cond3A_75 = arith.constant 0 : i32
      %cond3A_76 = arith.cmpi ne, %convert_element_type3A_74, %cond3A_75 : i32
      scf.if %cond3A_76 {
        %add3A_92 = arith.constant 2 : i32
        %add3A_93 = arith.addi %add3A_59, %add3A_92 : i32
        %mul3A_94 = arith.constant 512 : i32
        %mul3A_95 = arith.muli %add3A_93, %mul3A_94 : i32
        %add3A_96 = arith.addi %mul3A_2, %mul3A_95 : i32
        %dma_start3A_97 = tpu.memref_slice %arg2[%add3A_96] : memref<819200xi32, #tpu.memory_space<hbm>> -> memref<512xi32, #tpu.memory_space<hbm>>
        %dma_start3A_98 = tpu.memref_slice %arg2[%add3A_96] : memref<819200xi32, #tpu.memory_space<hbm>> -> memref<512xi32, #tpu.memory_space<hbm>>
        tpu.enqueue_dma source(%dma_start3A_98 : memref<512xi32, #tpu.memory_space<hbm>>) target(%arg7 : memref<512xi32, #tpu.memory_space<vmem>>) target_semaphore(%arg14 : memref<!tpu.dma_semaphore, #tpu.memory_space<semaphore_mem>>)
      } else {
      }
      %mul3A_77 = arith.constant 512 : i32
      %mul3A_78 = arith.muli %add3A_59, %mul3A_77 : i32
      %add3A_79 = arith.addi %mul3A_2, %mul3A_78 : i32
      %rem3A_80 = arith.constant 200 : i32
      %rem3A_81 = arith.remsi %add3A_79, %rem3A_80 : i32
      %scan3A_82 = arith.constant 0 : i32
      %scan3A_83 = arith.constant 0 : i32
      %scan3A_84 = arith.constant 512 : i32
      %scan3A_85 = arith.addi %scan3A_83, %scan3A_84 : i32
      %scan3A_86 = arith.constant 8 : i32
      scf.for %scan3A_92 = %scan3A_83 to %scan3A_85 step %scan3A_86  : i32 {
        %add3A_93 = arith.addi %rem3A_81, %scan3A_92 : i32
        %get3A = arith.index_cast %add3A_93 : i32 to index
        %get3A_94 = arith.constant 0 : index
        %get3A_95 = tpu.vector_load %arg10[%get3A, %get3A_94] {strides = array<i32>} : memref<712x64xf32, #tpu.memory_space<vmem>>, vector<1x16xf32>,
        %get3A_96 = vector.shape_cast %get3A_95 : vector<1x16xf32> to vector<16xf32>
        %swap3A = arith.index_cast %scan3A_92 : i32 to index
        %swap3A_97 = arith.constant 0 : index
        %swap3A_98 = tpu.vector_load %arg9[%swap3A, %swap3A_97] {strides = array<i32>} : memref<512x64xf32, #tpu.memory_space<vmem>>, vector<1x16xf32>,
        %swap3A_99 = vector.shape_cast %swap3A_98 : vector<1x16xf32> to vector<16xf32>
        %swap3A_100 = vector.shape_cast %get3A_96 : vector<16xf32> to vector<1x16xf32>
        tpu.vector_store %arg9[%swap3A, %swap3A_97], %swap3A_100 {add = true, strides = array<i32>} : memref<512x64xf32, #tpu.memory_space<vmem>>, vector<1x16xf32>,
        %get3A_101 = arith.index_cast %add3A_93 : i32 to index
        %get3A_102 = arith.constant 16 : index
        %get3A_103 = tpu.vector_load %arg10[%get3A_101, %get3A_102] {strides = array<i32>} : memref<712x64xf32, #tpu.memory_space<vmem>>, vector<1x16xf32>,
        %get3A_104 = vector.shape_cast %get3A_103 : vector<1x16xf32> to vector<16xf32>
        %swap3A_105 = arith.index_cast %scan3A_92 : i32 to index
        %swap3A_106 = arith.constant 16 : index
        %swap3A_107 = tpu.vector_load %arg9[%swap3A_105, %swap3A_106] {strides = array<i32>} : memref<512x64xf32, #tpu.memory_space<vmem>>, vector<1x16xf32>,
        %swap3A_108 = vector.shape_cast %swap3A_107 : vector<1x16xf32> to vector<16xf32>
        %swap3A_109 = vector.shape_cast %get3A_104 : vector<16xf32> to vector<1x16xf32>
        tpu.vector_store %arg9[%swap3A_105, %swap3A_106], %swap3A_109 {add = true, strides = array<i32>} : memref<512x64xf32, #tpu.memory_space<vmem>>, vector<1x16xf32>,
        %get3A_110 = arith.index_cast %add3A_93 : i32 to index
        %get3A_111 = arith.constant 32 : index
        %get3A_112 = tpu.vector_load %arg10[%get3A_110, %get3A_111] {strides = array<i32>} : memref<712x64xf32, #tpu.memory_space<vmem>>, vector<1x16xf32>,
        %get3A_113 = vector.shape_cast %get3A_112 : vector<1x16xf32> to vector<16xf32>
        %swap3A_114 = arith.index_cast %scan3A_92 : i32 to index
        %swap3A_115 = arith.constant 32 : index
        %swap3A_116 = tpu.vector_load %arg9[%swap3A_114, %swap3A_115] {strides = array<i32>} : memref<512x64xf32, #tpu.memory_space<vmem>>, vector<1x16xf32>,
        %swap3A_117 = vector.shape_cast %swap3A_116 : vector<1x16xf32> to vector<16xf32>
        %swap3A_118 = vector.shape_cast %get3A_113 : vector<16xf32> to vector<1x16xf32>
        tpu.vector_store %arg9[%swap3A_114, %swap3A_115], %swap3A_118 {add = true, strides = array<i32>} : memref<512x64xf32, #tpu.memory_space<vmem>>, vector<1x16xf32>,
        %get3A_119 = arith.index_cast %add3A_93 : i32 to index
        %get3A_120 = arith.constant 48 : index
        %get3A_121 = tpu.vector_load %arg10[%get3A_119, %get3A_120] {strides = array<i32>} : memref<712x64xf32, #tpu.memory_space<vmem>>, vector<1x16xf32>,
        %get3A_122 = vector.shape_cast %get3A_121 : vector<1x16xf32> to vector<16xf32>
        %swap3A_123 = arith.index_cast %scan3A_92 : i32 to index
        %swap3A_124 = arith.constant 48 : index
        %swap3A_125 = tpu.vector_load %arg9[%swap3A_123, %swap3A_124] {strides = array<i32>} : memref<512x64xf32, #tpu.memory_space<vmem>>, vector<1x16xf32>,
        %swap3A_126 = vector.shape_cast %swap3A_125 : vector<1x16xf32> to vector<16xf32>
        %swap3A_127 = vector.shape_cast %get3A_122 : vector<16xf32> to vector<1x16xf32>
        tpu.vector_store %arg9[%swap3A_123, %swap3A_124], %swap3A_127 {add = true, strides = array<i32>} : memref<512x64xf32, #tpu.memory_space<vmem>>, vector<1x16xf32>,
        %scan3A_128 = arith.constant 1 : i32
        %scan3A_129 = arith.addi %scan3A_92, %scan3A_128 : i32
        %add3A_130 = arith.addi %rem3A_81, %scan3A_129 : i32
        %get3A_131 = arith.index_cast %add3A_130 : i32 to index
        %get3A_132 = arith.constant 0 : index
        %get3A_133 = tpu.vector_load %arg10[%get3A_131, %get3A_132] {strides = array<i32>} : memref<712x64xf32, #tpu.memory_space<vmem>>, vector<1x16xf32>,
        %get3A_134 = vector.shape_cast %get3A_133 : vector<1x16xf32> to vector<16xf32>
        %swap3A_135 = arith.index_cast %scan3A_129 : i32 to index
        %swap3A_136 = arith.constant 0 : index
        %swap3A_137 = tpu.vector_load %arg9[%swap3A_135, %swap3A_136] {strides = array<i32>} : memref<512x64xf32, #tpu.memory_space<vmem>>, vector<1x16xf32>,
        %swap3A_138 = vector.shape_cast %swap3A_137 : vector<1x16xf32> to vector<16xf32>
        %swap3A_139 = vector.shape_cast %get3A_134 : vector<16xf32> to vector<1x16xf32>
        tpu.vector_store %arg9[%swap3A_135, %swap3A_136], %swap3A_139 {add = true, strides = array<i32>} : memref<512x64xf32, #tpu.memory_space<vmem>>, vector<1x16xf32>,
        %get3A_140 = arith.index_cast %add3A_130 : i32 to index
        %get3A_141 = arith.constant 16 : index
        %get3A_142 = tpu.vector_load %arg10[%get3A_140, %get3A_141] {strides = array<i32>} : memref<712x64xf32, #tpu.memory_space<vmem>>, vector<1x16xf32>,
        %get3A_143 = vector.shape_cast %get3A_142 : vector<1x16xf32> to vector<16xf32>
        %swap3A_144 = arith.index_cast %scan3A_129 : i32 to index
        %swap3A_145 = arith.constant 16 : index
        %swap3A_146 = tpu.vector_load %arg9[%swap3A_144, %swap3A_145] {strides = array<i32>} : memref<512x64xf32, #tpu.memory_space<vmem>>, vector<1x16xf32>,
        %swap3A_147 = vector.shape_cast %swap3A_146 : vector<1x16xf32> to vector<16xf32>
        %swap3A_148 = vector.shape_cast %get3A_143 : vector<16xf32> to vector<1x16xf32>
        tpu.vector_store %arg9[%swap3A_144, %swap3A_145], %swap3A_148 {add = true, strides = array<i32>} : memref<512x64xf32, #tpu.memory_space<vmem>>, vector<1x16xf32>,
        %get3A_149 = arith.index_cast %add3A_130 : i32 to index
        %get3A_150 = arith.constant 32 : index
        %get3A_151 = tpu.vector_load %arg10[%get3A_149, %get3A_150] {strides = array<i32>} : memref<712x64xf32, #tpu.memory_space<vmem>>, vector<1x16xf32>,
        %get3A_152 = vector.shape_cast %get3A_151 : vector<1x16xf32> to vector<16xf32>
        %swap3A_153 = arith.index_cast %scan3A_129 : i32 to index
        %swap3A_154 = arith.constant 32 : index
        %swap3A_155 = tpu.vector_load %arg9[%swap3A_153, %swap3A_154] {strides = array<i32>} : memref<512x64xf32, #tpu.memory_space<vmem>>, vector<1x16xf32>,
        %swap3A_156 = vector.shape_cast %swap3A_155 : vector<1x16xf32> to vector<16xf32>
        %swap3A_157 = vector.shape_cast %get3A_152 : vector<16xf32> to vector<1x16xf32>
        tpu.vector_store %arg9[%swap3A_153, %swap3A_154], %swap3A_157 {add = true, strides = array<i32>} : memref<512x64xf32, #tpu.memory_space<vmem>>, vector<1x16xf32>,
        %get3A_158 = arith.index_cast %add3A_130 : i32 to index
        %get3A_159 = arith.constant 48 : index
        %get3A_160 = tpu.vector_load %arg10[%get3A_158, %get3A_159] {strides = array<i32>} : memref<712x64xf32, #tpu.memory_space<vmem>>, vector<1x16xf32>,
        %get3A_161 = vector.shape_cast %get3A_160 : vector<1x16xf32> to vector<16xf32>
        %swap3A_162 = arith.index_cast %scan3A_129 : i32 to index
        %swap3A_163 = arith.constant 48 : index
        %swap3A_164 = tpu.vector_load %arg9[%swap3A_162, %swap3A_163] {strides = array<i32>} : memref<512x64xf32, #tpu.memory_space<vmem>>, vector<1x16xf32>,
        %swap3A_165 = vector.shape_cast %swap3A_164 : vector<1x16xf32> to vector<16xf32>
        %swap3A_166 = vector.shape_cast %get3A_161 : vector<16xf32> to vector<1x16xf32>
        tpu.vector_store %arg9[%swap3A_162, %swap3A_163], %swap3A_166 {add = true, strides = array<i32>} : memref<512x64xf32, #tpu.memory_space<vmem>>, vector<1x16xf32>,
        %scan3A_167 = arith.constant 2 : i32
        %scan3A_168 = arith.addi %scan3A_92, %scan3A_167 : i32
        %add3A_169 = arith.addi %rem3A_81, %scan3A_168 : i32
        %get3A_170 = arith.index_cast %add3A_169 : i32 to index
        %get3A_171 = arith.constant 0 : index
        %get3A_172 = tpu.vector_load %arg10[%get3A_170, %get3A_171] {strides = array<i32>} : memref<712x64xf32, #tpu.memory_space<vmem>>, vector<1x16xf32>,
        %get3A_173 = vector.shape_cast %get3A_172 : vector<1x16xf32> to vector<16xf32>
        %swap3A_174 = arith.index_cast %scan3A_168 : i32 to index
        %swap3A_175 = arith.constant 0 : index
        %swap3A_176 = tpu.vector_load %arg9[%swap3A_174, %swap3A_175] {strides = array<i32>} : memref<512x64xf32, #tpu.memory_space<vmem>>, vector<1x16xf32>,
        %swap3A_177 = vector.shape_cast %swap3A_176 : vector<1x16xf32> to vector<16xf32>
        %swap3A_178 = vector.shape_cast %get3A_173 : vector<16xf32> to vector<1x16xf32>
        tpu.vector_store %arg9[%swap3A_174, %swap3A_175], %swap3A_178 {add = true, strides = array<i32>} : memref<512x64xf32, #tpu.memory_space<vmem>>, vector<1x16xf32>,
        %get3A_179 = arith.index_cast %add3A_169 : i32 to index
        %get3A_180 = arith.constant 16 : index
        %get3A_181 = tpu.vector_load %arg10[%get3A_179, %get3A_180] {strides = array<i32>} : memref<712x64xf32, #tpu.memory_space<vmem>>, vector<1x16xf32>,
        %get3A_182 = vector.shape_cast %get3A_181 : vector<1x16xf32> to vector<16xf32>
        %swap3A_183 = arith.index_cast %scan3A_168 : i32 to index
        %swap3A_184 = arith.constant 16 : index
        %swap3A_185 = tpu.vector_load %arg9[%swap3A_183, %swap3A_184] {strides = array<i32>} : memref<512x64xf32, #tpu.memory_space<vmem>>, vector<1x16xf32>,
        %swap3A_186 = vector.shape_cast %swap3A_185 : vector<1x16xf32> to vector<16xf32>
        %swap3A_187 = vector.shape_cast %get3A_182 : vector<16xf32> to vector<1x16xf32>
        tpu.vector_store %arg9[%swap3A_183, %swap3A_184], %swap3A_187 {add = true, strides = array<i32>} : memref<512x64xf32, #tpu.memory_space<vmem>>, vector<1x16xf32>,
        %get3A_188 = arith.index_cast %add3A_169 : i32 to index
        %get3A_189 = arith.constant 32 : index
        %get3A_190 = tpu.vector_load %arg10[%get3A_188, %get3A_189] {strides = array<i32>} : memref<712x64xf32, #tpu.memory_space<vmem>>, vector<1x16xf32>,
        %get3A_191 = vector.shape_cast %get3A_190 : vector<1x16xf32> to vector<16xf32>
        %swap3A_192 = arith.index_cast %scan3A_168 : i32 to index
        %swap3A_193 = arith.constant 32 : index
        %swap3A_194 = tpu.vector_load %arg9[%swap3A_192, %swap3A_193] {strides = array<i32>} : memref<512x64xf32, #tpu.memory_space<vmem>>, vector<1x16xf32>,
        %swap3A_195 = vector.shape_cast %swap3A_194 : vector<1x16xf32> to vector<16xf32>
        %swap3A_196 = vector.shape_cast %get3A_191 : vector<16xf32> to vector<1x16xf32>
        tpu.vector_store %arg9[%swap3A_192, %swap3A_193], %swap3A_196 {add = true, strides = array<i32>} : memref<512x64xf32, #tpu.memory_space<vmem>>, vector<1x16xf32>,
        %get3A_197 = arith.index_cast %add3A_169 : i32 to index
        %get3A_198 = arith.constant 48 : index
        %get3A_199 = tpu.vector_load %arg10[%get3A_197, %get3A_198] {strides = array<i32>} : memref<712x64xf32, #tpu.memory_space<vmem>>, vector<1x16xf32>,
        %get3A_200 = vector.shape_cast %get3A_199 : vector<1x16xf32> to vector<16xf32>
        %swap3A_201 = arith.index_cast %scan3A_168 : i32 to index
        %swap3A_202 = arith.constant 48 : index
        %swap3A_203 = tpu.vector_load %arg9[%swap3A_201, %swap3A_202] {strides = array<i32>} : memref<512x64xf32, #tpu.memory_space<vmem>>, vector<1x16xf32>,
        %swap3A_204 = vector.shape_cast %swap3A_203 : vector<1x16xf32> to vector<16xf32>
        %swap3A_205 = vector.shape_cast %get3A_200 : vector<16xf32> to vector<1x16xf32>
        tpu.vector_store %arg9[%swap3A_201, %swap3A_202], %swap3A_205 {add = true, strides = array<i32>} : memref<512x64xf32, #tpu.memory_space<vmem>>, vector<1x16xf32>,
        %scan3A_206 = arith.constant 3 : i32
        %scan3A_207 = arith.addi %scan3A_92, %scan3A_206 : i32
        %add3A_208 = arith.addi %rem3A_81, %scan3A_207 : i32
        %get3A_209 = arith.index_cast %add3A_208 : i32 to index
        %get3A_210 = arith.constant 0 : index
        %get3A_211 = tpu.vector_load %arg10[%get3A_209, %get3A_210] {strides = array<i32>} : memref<712x64xf32, #tpu.memory_space<vmem>>, vector<1x16xf32>,
        %get3A_212 = vector.shape_cast %get3A_211 : vector<1x16xf32> to vector<16xf32>
        %swap3A_213 = arith.index_cast %scan3A_207 : i32 to index
        %swap3A_214 = arith.constant 0 : index
        %swap3A_215 = tpu.vector_load %arg9[%swap3A_213, %swap3A_214] {strides = array<i32>} : memref<512x64xf32, #tpu.memory_space<vmem>>, vector<1x16xf32>,
        %swap3A_216 = vector.shape_cast %swap3A_215 : vector<1x16xf32> to vector<16xf32>
        %swap3A_217 = vector.shape_cast %get3A_212 : vector<16xf32> to vector<1x16xf32>
        tpu.vector_store %arg9[%swap3A_213, %swap3A_214], %swap3A_217 {add = true, strides = array<i32>} : memref<512x64xf32, #tpu.memory_space<vmem>>, vector<1x16xf32>,
        %get3A_218 = arith.index_cast %add3A_208 : i32 to index
        %get3A_219 = arith.constant 16 : index
        %get3A_220 = tpu.vector_load %arg10[%get3A_218, %get3A_219] {strides = array<i32>} : memref<712x64xf32, #tpu.memory_space<vmem>>, vector<1x16xf32>,
        %get3A_221 = vector.shape_cast %get3A_220 : vector<1x16xf32> to vector<16xf32>
        %swap3A_222 = arith.index_cast %scan3A_207 : i32 to index
        %swap3A_223 = arith.constant 16 : index
        %swap3A_224 = tpu.vector_load %arg9[%swap3A_222, %swap3A_223] {strides = array<i32>} : memref<512x64xf32, #tpu.memory_space<vmem>>, vector<1x16xf32>,
        %swap3A_225 = vector.shape_cast %swap3A_224 : vector<1x16xf32> to vector<16xf32>
        %swap3A_226 = vector.shape_cast %get3A_221 : vector<16xf32> to vector<1x16xf32>
        tpu.vector_store %arg9[%swap3A_222, %swap3A_223], %swap3A_226 {add = true, strides = array<i32>} : memref<512x64xf32, #tpu.memory_space<vmem>>, vector<1x16xf32>,
        %get3A_227 = arith.index_cast %add3A_208 : i32 to index
        %get3A_228 = arith.constant 32 : index
        %get3A_229 = tpu.vector_load %arg10[%get3A_227, %get3A_228] {strides = array<i32>} : memref<712x64xf32, #tpu.memory_space<vmem>>, vector<1x16xf32>,
        %get3A_230 = vector.shape_cast %get3A_229 : vector<1x16xf32> to vector<16xf32>
        %swap3A_231 = arith.index_cast %scan3A_207 : i32 to index
        %swap3A_232 = arith.constant 32 : index
        %swap3A_233 = tpu.vector_load %arg9[%swap3A_231, %swap3A_232] {strides = array<i32>} : memref<512x64xf32, #tpu.memory_space<vmem>>, vector<1x16xf32>,
        %swap3A_234 = vector.shape_cast %swap3A_233 : vector<1x16xf32> to vector<16xf32>
        %swap3A_235 = vector.shape_cast %get3A_230 : vector<16xf32> to vector<1x16xf32>
        tpu.vector_store %arg9[%swap3A_231, %swap3A_232], %swap3A_235 {add = true, strides = array<i32>} : memref<512x64xf32, #tpu.memory_space<vmem>>, vector<1x16xf32>,
        %get3A_236 = arith.index_cast %add3A_208 : i32 to index
        %get3A_237 = arith.constant 48 : index
        %get3A_238 = tpu.vector_load %arg10[%get3A_236, %get3A_237] {strides = array<i32>} : memref<712x64xf32, #tpu.memory_space<vmem>>, vector<1x16xf32>,
        %get3A_239 = vector.shape_cast %get3A_238 : vector<1x16xf32> to vector<16xf32>
        %swap3A_240 = arith.index_cast %scan3A_207 : i32 to index
        %swap3A_241 = arith.constant 48 : index
        %swap3A_242 = tpu.vector_load %arg9[%swap3A_240, %swap3A_241] {strides = array<i32>} : memref<512x64xf32, #tpu.memory_space<vmem>>, vector<1x16xf32>,
        %swap3A_243 = vector.shape_cast %swap3A_242 : vector<1x16xf32> to vector<16xf32>
        %swap3A_244 = vector.shape_cast %get3A_239 : vector<16xf32> to vector<1x16xf32>
        tpu.vector_store %arg9[%swap3A_240, %swap3A_241], %swap3A_244 {add = true, strides = array<i32>} : memref<512x64xf32, #tpu.memory_space<vmem>>, vector<1x16xf32>,
        %scan3A_245 = arith.constant 4 : i32
        %scan3A_246 = arith.addi %scan3A_92, %scan3A_245 : i32
        %add3A_247 = arith.addi %rem3A_81, %scan3A_246 : i32
        %get3A_248 = arith.index_cast %add3A_247 : i32 to index
        %get3A_249 = arith.constant 0 : index
        %get3A_250 = tpu.vector_load %arg10[%get3A_248, %get3A_249] {strides = array<i32>} : memref<712x64xf32, #tpu.memory_space<vmem>>, vector<1x16xf32>,
        %get3A_251 = vector.shape_cast %get3A_250 : vector<1x16xf32> to vector<16xf32>
        %swap3A_252 = arith.index_cast %scan3A_246 : i32 to index
        %swap3A_253 = arith.constant 0 : index
        %swap3A_254 = tpu.vector_load %arg9[%swap3A_252, %swap3A_253] {strides = array<i32>} : memref<512x64xf32, #tpu.memory_space<vmem>>, vector<1x16xf32>,
        %swap3A_255 = vector.shape_cast %swap3A_254 : vector<1x16xf32> to vector<16xf32>
        %swap3A_256 = vector.shape_cast %get3A_251 : vector<16xf32> to vector<1x16xf32>
        tpu.vector_store %arg9[%swap3A_252, %swap3A_253], %swap3A_256 {add = true, strides = array<i32>} : memref<512x64xf32, #tpu.memory_space<vmem>>, vector<1x16xf32>,
        %get3A_257 = arith.index_cast %add3A_247 : i32 to index
        %get3A_258 = arith.constant 16 : index
        %get3A_259 = tpu.vector_load %arg10[%get3A_257, %get3A_258] {strides = array<i32>} : memref<712x64xf32, #tpu.memory_space<vmem>>, vector<1x16xf32>,
        %get3A_260 = vector.shape_cast %get3A_259 : vector<1x16xf32> to vector<16xf32>
        %swap3A_261 = arith.index_cast %scan3A_246 : i32 to index
        %swap3A_262 = arith.constant 16 : index
        %swap3A_263 = tpu.vector_load %arg9[%swap3A_261, %swap3A_262] {strides = array<i32>} : memref<512x64xf32, #tpu.memory_space<vmem>>, vector<1x16xf32>,
        %swap3A_264 = vector.shape_cast %swap3A_263 : vector<1x16xf32> to vector<16xf32>
        %swap3A_265 = vector.shape_cast %get3A_260 : vector<16xf32> to vector<1x16xf32>
        tpu.vector_store %arg9[%swap3A_261, %swap3A_262], %swap3A_265 {add = true, strides = array<i32>} : memref<512x64xf32, #tpu.memory_space<vmem>>, vector<1x16xf32>,
        %get3A_266 = arith.index_cast %add3A_247 : i32 to index
        %get3A_267 = arith.constant 32 : index
        %get3A_268 = tpu.vector_load %arg10[%get3A_266, %get3A_267] {strides = array<i32>} : memref<712x64xf32, #tpu.memory_space<vmem>>, vector<1x16xf32>,
        %get3A_269 = vector.shape_cast %get3A_268 : vector<1x16xf32> to vector<16xf32>
        %swap3A_270 = arith.index_cast %scan3A_246 : i32 to index
        %swap3A_271 = arith.constant 32 : index
        %swap3A_272 = tpu.vector_load %arg9[%swap3A_270, %swap3A_271] {strides = array<i32>} : memref<512x64xf32, #tpu.memory_space<vmem>>, vector<1x16xf32>,
        %swap3A_273 = vector.shape_cast %swap3A_272 : vector<1x16xf32> to vector<16xf32>
        %swap3A_274 = vector.shape_cast %get3A_269 : vector<16xf32> to vector<1x16xf32>
        tpu.vector_store %arg9[%swap3A_270, %swap3A_271], %swap3A_274 {add = true, strides = array<i32>} : memref<512x64xf32, #tpu.memory_space<vmem>>, vector<1x16xf32>,
        %get3A_275 = arith.index_cast %add3A_247 : i32 to index
        %get3A_276 = arith.constant 48 : index
        %get3A_277 = tpu.vector_load %arg10[%get3A_275, %get3A_276] {strides = array<i32>} : memref<712x64xf32, #tpu.memory_space<vmem>>, vector<1x16xf32>,
        %get3A_278 = vector.shape_cast %get3A_277 : vector<1x16xf32> to vector<16xf32>
        %swap3A_279 = arith.index_cast %scan3A_246 : i32 to index
        %swap3A_280 = arith.constant 48 : index
        %swap3A_281 = tpu.vector_load %arg9[%swap3A_279, %swap3A_280] {strides = array<i32>} : memref<512x64xf32, #tpu.memory_space<vmem>>, vector<1x16xf32>,
        %swap3A_282 = vector.shape_cast %swap3A_281 : vector<1x16xf32> to vector<16xf32>
        %swap3A_283 = vector.shape_cast %get3A_278 : vector<16xf32> to vector<1x16xf32>
        tpu.vector_store %arg9[%swap3A_279, %swap3A_280], %swap3A_283 {add = true, strides = array<i32>} : memref<512x64xf32, #tpu.memory_space<vmem>>, vector<1x16xf32>,
        %scan3A_284 = arith.constant 5 : i32
        %scan3A_285 = arith.addi %scan3A_92, %scan3A_284 : i32
        %add3A_286 = arith.addi %rem3A_81, %scan3A_285 : i32
        %get3A_287 = arith.index_cast %add3A_286 : i32 to index
        %get3A_288 = arith.constant 0 : index
        %get3A_289 = tpu.vector_load %arg10[%get3A_287, %get3A_288] {strides = array<i32>} : memref<712x64xf32, #tpu.memory_space<vmem>>, vector<1x16xf32>,
        %get3A_290 = vector.shape_cast %get3A_289 : vector<1x16xf32> to vector<16xf32>
        %swap3A_291 = arith.index_cast %scan3A_285 : i32 to index
        %swap3A_292 = arith.constant 0 : index
        %swap3A_293 = tpu.vector_load %arg9[%swap3A_291, %swap3A_292] {strides = array<i32>} : memref<512x64xf32, #tpu.memory_space<vmem>>, vector<1x16xf32>,
        %swap3A_294 = vector.shape_cast %swap3A_293 : vector<1x16xf32> to vector<16xf32>
        %swap3A_295 = vector.shape_cast %get3A_290 : vector<16xf32> to vector<1x16xf32>
        tpu.vector_store %arg9[%swap3A_291, %swap3A_292], %swap3A_295 {add = true, strides = array<i32>} : memref<512x64xf32, #tpu.memory_space<vmem>>, vector<1x16xf32>,
        %get3A_296 = arith.index_cast %add3A_286 : i32 to index
        %get3A_297 = arith.constant 16 : index
        %get3A_298 = tpu.vector_load %arg10[%get3A_296, %get3A_297] {strides = array<i32>} : memref<712x64xf32, #tpu.memory_space<vmem>>, vector<1x16xf32>,
        %get3A_299 = vector.shape_cast %get3A_298 : vector<1x16xf32> to vector<16xf32>
        %swap3A_300 = arith.index_cast %scan3A_285 : i32 to index
        %swap3A_301 = arith.constant 16 : index
        %swap3A_302 = tpu.vector_load %arg9[%swap3A_300, %swap3A_301] {strides = array<i32>} : memref<512x64xf32, #tpu.memory_space<vmem>>, vector<1x16xf32>,
        %swap3A_303 = vector.shape_cast %swap3A_302 : vector<1x16xf32> to vector<16xf32>
        %swap3A_304 = vector.shape_cast %get3A_299 : vector<16xf32> to vector<1x16xf32>
        tpu.vector_store %arg9[%swap3A_300, %swap3A_301], %swap3A_304 {add = true, strides = array<i32>} : memref<512x64xf32, #tpu.memory_space<vmem>>, vector<1x16xf32>,
        %get3A_305 = arith.index_cast %add3A_286 : i32 to index
        %get3A_306 = arith.constant 32 : index
        %get3A_307 = tpu.vector_load %arg10[%get3A_305, %get3A_306] {strides = array<i32>} : memref<712x64xf32, #tpu.memory_space<vmem>>, vector<1x16xf32>,
        %get3A_308 = vector.shape_cast %get3A_307 : vector<1x16xf32> to vector<16xf32>
        %swap3A_309 = arith.index_cast %scan3A_285 : i32 to index
        %swap3A_310 = arith.constant 32 : index
        %swap3A_311 = tpu.vector_load %arg9[%swap3A_309, %swap3A_310] {strides = array<i32>} : memref<512x64xf32, #tpu.memory_space<vmem>>, vector<1x16xf32>,
        %swap3A_312 = vector.shape_cast %swap3A_311 : vector<1x16xf32> to vector<16xf32>
        %swap3A_313 = vector.shape_cast %get3A_308 : vector<16xf32> to vector<1x16xf32>
        tpu.vector_store %arg9[%swap3A_309, %swap3A_310], %swap3A_313 {add = true, strides = array<i32>} : memref<512x64xf32, #tpu.memory_space<vmem>>, vector<1x16xf32>,
        %get3A_314 = arith.index_cast %add3A_286 : i32 to index
        %get3A_315 = arith.constant 48 : index
        %get3A_316 = tpu.vector_load %arg10[%get3A_314, %get3A_315] {strides = array<i32>} : memref<712x64xf32, #tpu.memory_space<vmem>>, vector<1x16xf32>,
        %get3A_317 = vector.shape_cast %get3A_316 : vector<1x16xf32> to vector<16xf32>
        %swap3A_318 = arith.index_cast %scan3A_285 : i32 to index
        %swap3A_319 = arith.constant 48 : index
        %swap3A_320 = tpu.vector_load %arg9[%swap3A_318, %swap3A_319] {strides = array<i32>} : memref<512x64xf32, #tpu.memory_space<vmem>>, vector<1x16xf32>,
        %swap3A_321 = vector.shape_cast %swap3A_320 : vector<1x16xf32> to vector<16xf32>
        %swap3A_322 = vector.shape_cast %get3A_317 : vector<16xf32> to vector<1x16xf32>
        tpu.vector_store %arg9[%swap3A_318, %swap3A_319], %swap3A_322 {add = true, strides = array<i32>} : memref<512x64xf32, #tpu.memory_space<vmem>>, vector<1x16xf32>,
        %scan3A_323 = arith.constant 6 : i32
        %scan3A_324 = arith.addi %scan3A_92, %scan3A_323 : i32
        %add3A_325 = arith.addi %rem3A_81, %scan3A_324 : i32
        %get3A_326 = arith.index_cast %add3A_325 : i32 to index
        %get3A_327 = arith.constant 0 : index
        %get3A_328 = tpu.vector_load %arg10[%get3A_326, %get3A_327] {strides = array<i32>} : memref<712x64xf32, #tpu.memory_space<vmem>>, vector<1x16xf32>,
        %get3A_329 = vector.shape_cast %get3A_328 : vector<1x16xf32> to vector<16xf32>
        %swap3A_330 = arith.index_cast %scan3A_324 : i32 to index
        %swap3A_331 = arith.constant 0 : index
        %swap3A_332 = tpu.vector_load %arg9[%swap3A_330, %swap3A_331] {strides = array<i32>} : memref<512x64xf32, #tpu.memory_space<vmem>>, vector<1x16xf32>,
        %swap3A_333 = vector.shape_cast %swap3A_332 : vector<1x16xf32> to vector<16xf32>
        %swap3A_334 = vector.shape_cast %get3A_329 : vector<16xf32> to vector<1x16xf32>
        tpu.vector_store %arg9[%swap3A_330, %swap3A_331], %swap3A_334 {add = true, strides = array<i32>} : memref<512x64xf32, #tpu.memory_space<vmem>>, vector<1x16xf32>,
        %get3A_335 = arith.index_cast %add3A_325 : i32 to index
        %get3A_336 = arith.constant 16 : index
        %get3A_337 = tpu.vector_load %arg10[%get3A_335, %get3A_336] {strides = array<i32>} : memref<712x64xf32, #tpu.memory_space<vmem>>, vector<1x16xf32>,
        %get3A_338 = vector.shape_cast %get3A_337 : vector<1x16xf32> to vector<16xf32>
        %swap3A_339 = arith.index_cast %scan3A_324 : i32 to index
        %swap3A_340 = arith.constant 16 : index
        %swap3A_341 = tpu.vector_load %arg9[%swap3A_339, %swap3A_340] {strides = array<i32>} : memref<512x64xf32, #tpu.memory_space<vmem>>, vector<1x16xf32>,
        %swap3A_342 = vector.shape_cast %swap3A_341 : vector<1x16xf32> to vector<16xf32>
        %swap3A_343 = vector.shape_cast %get3A_338 : vector<16xf32> to vector<1x16xf32>
        tpu.vector_store %arg9[%swap3A_339, %swap3A_340], %swap3A_343 {add = true, strides = array<i32>} : memref<512x64xf32, #tpu.memory_space<vmem>>, vector<1x16xf32>,
        %get3A_344 = arith.index_cast %add3A_325 : i32 to index
        %get3A_345 = arith.constant 32 : index
        %get3A_346 = tpu.vector_load %arg10[%get3A_344, %get3A_345] {strides = array<i32>} : memref<712x64xf32, #tpu.memory_space<vmem>>, vector<1x16xf32>,
        %get3A_347 = vector.shape_cast %get3A_346 : vector<1x16xf32> to vector<16xf32>
        %swap3A_348 = arith.index_cast %scan3A_324 : i32 to index
        %swap3A_349 = arith.constant 32 : index
        %swap3A_350 = tpu.vector_load %arg9[%swap3A_348, %swap3A_349] {strides = array<i32>} : memref<512x64xf32, #tpu.memory_space<vmem>>, vector<1x16xf32>,
        %swap3A_351 = vector.shape_cast %swap3A_350 : vector<1x16xf32> to vector<16xf32>
        %swap3A_352 = vector.shape_cast %get3A_347 : vector<16xf32> to vector<1x16xf32>
        tpu.vector_store %arg9[%swap3A_348, %swap3A_349], %swap3A_352 {add = true, strides = array<i32>} : memref<512x64xf32, #tpu.memory_space<vmem>>, vector<1x16xf32>,
        %get3A_353 = arith.index_cast %add3A_325 : i32 to index
        %get3A_354 = arith.constant 48 : index
        %get3A_355 = tpu.vector_load %arg10[%get3A_353, %get3A_354] {strides = array<i32>} : memref<712x64xf32, #tpu.memory_space<vmem>>, vector<1x16xf32>,
        %get3A_356 = vector.shape_cast %get3A_355 : vector<1x16xf32> to vector<16xf32>
        %swap3A_357 = arith.index_cast %scan3A_324 : i32 to index
        %swap3A_358 = arith.constant 48 : index
        %swap3A_359 = tpu.vector_load %arg9[%swap3A_357, %swap3A_358] {strides = array<i32>} : memref<512x64xf32, #tpu.memory_space<vmem>>, vector<1x16xf32>,
        %swap3A_360 = vector.shape_cast %swap3A_359 : vector<1x16xf32> to vector<16xf32>
        %swap3A_361 = vector.shape_cast %get3A_356 : vector<16xf32> to vector<1x16xf32>
        tpu.vector_store %arg9[%swap3A_357, %swap3A_358], %swap3A_361 {add = true, strides = array<i32>} : memref<512x64xf32, #tpu.memory_space<vmem>>, vector<1x16xf32>,
        %scan3A_362 = arith.constant 7 : i32
        %scan3A_363 = arith.addi %scan3A_92, %scan3A_362 : i32
        %add3A_364 = arith.addi %rem3A_81, %scan3A_363 : i32
        %get3A_365 = arith.index_cast %add3A_364 : i32 to index
        %get3A_366 = arith.constant 0 : index
        %get3A_367 = tpu.vector_load %arg10[%get3A_365, %get3A_366] {strides = array<i32>} : memref<712x64xf32, #tpu.memory_space<vmem>>, vector<1x16xf32>,
        %get3A_368 = vector.shape_cast %get3A_367 : vector<1x16xf32> to vector<16xf32>
        %swap3A_369 = arith.index_cast %scan3A_363 : i32 to index
        %swap3A_370 = arith.constant 0 : index
        %swap3A_371 = tpu.vector_load %arg9[%swap3A_369, %swap3A_370] {strides = array<i32>} : memref<512x64xf32, #tpu.memory_space<vmem>>, vector<1x16xf32>,
        %swap3A_372 = vector.shape_cast %swap3A_371 : vector<1x16xf32> to vector<16xf32>
        %swap3A_373 = vector.shape_cast %get3A_368 : vector<16xf32> to vector<1x16xf32>
        tpu.vector_store %arg9[%swap3A_369, %swap3A_370], %swap3A_373 {add = true, strides = array<i32>} : memref<512x64xf32, #tpu.memory_space<vmem>>, vector<1x16xf32>,
        %get3A_374 = arith.index_cast %add3A_364 : i32 to index
        %get3A_375 = arith.constant 16 : index
        %get3A_376 = tpu.vector_load %arg10[%get3A_374, %get3A_375] {strides = array<i32>} : memref<712x64xf32, #tpu.memory_space<vmem>>, vector<1x16xf32>,
        %get3A_377 = vector.shape_cast %get3A_376 : vector<1x16xf32> to vector<16xf32>
        %swap3A_378 = arith.index_cast %scan3A_363 : i32 to index
        %swap3A_379 = arith.constant 16 : index
        %swap3A_380 = tpu.vector_load %arg9[%swap3A_378, %swap3A_379] {strides = array<i32>} : memref<512x64xf32, #tpu.memory_space<vmem>>, vector<1x16xf32>,
        %swap3A_381 = vector.shape_cast %swap3A_380 : vector<1x16xf32> to vector<16xf32>
        %swap3A_382 = vector.shape_cast %get3A_377 : vector<16xf32> to vector<1x16xf32>
        tpu.vector_store %arg9[%swap3A_378, %swap3A_379], %swap3A_382 {add = true, strides = array<i32>} : memref<512x64xf32, #tpu.memory_space<vmem>>, vector<1x16xf32>,
        %get3A_383 = arith.index_cast %add3A_364 : i32 to index
        %get3A_384 = arith.constant 32 : index
        %get3A_385 = tpu.vector_load %arg10[%get3A_383, %get3A_384] {strides = array<i32>} : memref<712x64xf32, #tpu.memory_space<vmem>>, vector<1x16xf32>,
        %get3A_386 = vector.shape_cast %get3A_385 : vector<1x16xf32> to vector<16xf32>
        %swap3A_387 = arith.index_cast %scan3A_363 : i32 to index
        %swap3A_388 = arith.constant 32 : index
        %swap3A_389 = tpu.vector_load %arg9[%swap3A_387, %swap3A_388] {strides = array<i32>} : memref<512x64xf32, #tpu.memory_space<vmem>>, vector<1x16xf32>,
        %swap3A_390 = vector.shape_cast %swap3A_389 : vector<1x16xf32> to vector<16xf32>
        %swap3A_391 = vector.shape_cast %get3A_386 : vector<16xf32> to vector<1x16xf32>
        tpu.vector_store %arg9[%swap3A_387, %swap3A_388], %swap3A_391 {add = true, strides = array<i32>} : memref<512x64xf32, #tpu.memory_space<vmem>>, vector<1x16xf32>,
        %get3A_392 = arith.index_cast %add3A_364 : i32 to index
        %get3A_393 = arith.constant 48 : index
        %get3A_394 = tpu.vector_load %arg10[%get3A_392, %get3A_393] {strides = array<i32>} : memref<712x64xf32, #tpu.memory_space<vmem>>, vector<1x16xf32>,
        %get3A_395 = vector.shape_cast %get3A_394 : vector<1x16xf32> to vector<16xf32>
        %swap3A_396 = arith.index_cast %scan3A_363 : i32 to index
        %swap3A_397 = arith.constant 48 : index
        %swap3A_398 = tpu.vector_load %arg9[%swap3A_396, %swap3A_397] {strides = array<i32>} : memref<512x64xf32, #tpu.memory_space<vmem>>, vector<1x16xf32>,
        %swap3A_399 = vector.shape_cast %swap3A_398 : vector<1x16xf32> to vector<16xf32>
        %swap3A_400 = vector.shape_cast %get3A_395 : vector<16xf32> to vector<1x16xf32>
        tpu.vector_store %arg9[%swap3A_396, %swap3A_397], %swap3A_400 {add = true, strides = array<i32>} : memref<512x64xf32, #tpu.memory_space<vmem>>, vector<1x16xf32>,
      }
      %scan3A_87 = arith.constant 512 : i32
      %dma_start3A_88 = arith.constant 0 : i32
      %dma_start3A_89 = tpu.memref_slice %arg5[%add3A_79, %dma_start3A_88] : memref<819200x128xf32, #tpu.memory_space<hbm>> -> memref<512x64xf32, #tpu.memory_space<hbm>>
      %dma_start3A_90 = arith.constant 0 : i32
      %dma_start3A_91 = tpu.memref_slice %arg5[%add3A_79, %dma_start3A_90] : memref<819200x128xf32, #tpu.memory_space<hbm>> -> memref<512x64xf32, #tpu.memory_space<hbm>>
      tpu.enqueue_dma source(%arg9 : memref<512x64xf32, #tpu.memory_space<vmem>>) target(%dma_start3A_91 : memref<512x64xf32, #tpu.memory_space<hbm>>) target_semaphore(%arg16 : memref<!tpu.dma_semaphore, #tpu.memory_space<semaphore_mem>>)
    }
    %scan3A_13 = arith.constant 25 : i32
    %dma_wait3A = arith.constant 0 : i32
    %dma_wait3A_14 = arith.constant 0 : i32
    %dma_wait3A_15 = tpu.memref_slice %arg5[%dma_wait3A, %dma_wait3A_14] : memref<819200x128xf32, #tpu.memory_space<hbm>> -> memref<512x64xf32, #tpu.memory_space<hbm>>
    %dma_wait3A_16 = arith.constant 0 : i32
    %dma_wait3A_17 = arith.constant 0 : i32
    %dma_wait3A_18 = tpu.memref_slice %arg5[%dma_wait3A_16, %dma_wait3A_17] : memref<819200x128xf32, #tpu.memory_space<hbm>> -> memref<512x64xf32, #tpu.memory_space<hbm>>
    tpu.wait_dma2 semaphore(%arg15 : memref<!tpu.dma_semaphore, #tpu.memory_space<semaphore_mem>>) src(%arg8 : memref<512x64xf32, #tpu.memory_space<vmem>>) dst(%dma_wait3A_18 : memref<512x64xf32, #tpu.memory_space<hbm>>)
    %dma_wait3A_19 = arith.constant 0 : i32
    %dma_wait3A_20 = arith.constant 0 : i32
    %dma_wait3A_21 = tpu.memref_slice %arg5[%dma_wait3A_19, %dma_wait3A_20] : memref<819200x128xf32, #tpu.memory_space<hbm>> -> memref<512x64xf32, #tpu.memory_space<hbm>>
    %dma_wait3A_22 = arith.constant 0 : i32
    %dma_wait3A_23 = arith.constant 0 : i32
    %dma_wait3A_24 = tpu.memref_slice %arg5[%dma_wait3A_22, %dma_wait3A_23] : memref<819200x128xf32, #tpu.memory_space<hbm>> -> memref<512x64xf32, #tpu.memory_space<hbm>>
    tpu.wait_dma2 semaphore(%arg16 : memref<!tpu.dma_semaphore, #tpu.memory_space<semaphore_mem>>) src(%arg9 : memref<512x64xf32, #tpu.memory_space<vmem>>) dst(%dma_wait3A_24 : memref<512x64xf32, #tpu.memory_space<hbm>>)
    return
  }
}

</mosaic_0001>

<sc_bundles>
// kernel: kernel.3.cloned.1.call-start
scs
__scs_entry_jumppad:
0x0: {  	(pc) =	sbr.rel $0x88, $3  }
0x1: {  	(tag) =	ssettag $0x0;
	lr =	simm.s32 $0x1  }
0x2: {  	[smem:$0x3F9E] =	sst lr;
	_ =	strace $0xD0000000  }
0x3: {  	_ = 	snop  }
0x4: {  	_ = 	snop  }
0x5: {  	_ = 	snop  }
0x6: {  	_ = 	snop  }
0x7: {  	_ = 	snop  }
__scs_overlays_trampoline_lowered:
0x8: {  	[smem:$0x3FAD] =	sst s0  }
0x9: {  	[smem:$0x3FAE] =	sst s1  }
0xa: {  	[smem:$0x3FAF] =	sst s2  }
0xb: {  	[smem:$0x3FB0] =	sst s3  }
0xc: {  	[smem:$0x3FB1] =	sst s4  }
0xd: {  	[smem:$0x3FB2] =	sst s5  }
0xe: {  	[smem:$0x3FB3] =	sst s6  }
0xf: {  	[smem:$0x3FB4] =	sst s7  }
0x10: {  	[smem:$0x3FB5] =	sst s8  }
0x11: {  	[smem:$0x3FB6] =	sst s9;
	s0 =	simm.s32 @!p0 $0x0  }
0x12: {  	s1 =	sld [smem:$0x3F9C];
	s0 =	simm.s32 @p0 $0x1  }
0x13: {  	[smem:$0x3FB7] =	sst s0;
	s0 =	simm.s32 @!p1 $0x0  }
0x14: {  	s2 =	sld [smem:$0x3F9B];
	s0 =	simm.s32 @p1 $0x1  }
0x15: {  	[smem:$0x3FB8] =	sst s0;
	s0 =	simm.s32 @!p2 $0x0  }
0x16: {  	s3 =	sld [smem:$0x3FDB];
	s0 =	simm.s32 @p2 $0x1  }
0x17: {  	s4 =	simm.s32 $0x1BF5;
	[smem:$0x3FBA] =	sst s0  }
0x18: {  	s0 =	sld [smem:$0x3F9D];
	_ =	swait.ge [sflag:s4], $0x0  }
0x19: {  	s7 =	sld [smem:$0x3F9E]  }
0x1a: {  	s8 =	sadd.s32 $0xFFFFE003, lr  }
0x1b: {  	s9 =	sadd.s32 $0xFFFFFEF7, lr;
	s5 =	simm.s32 $0xFFFFFFFF;
	p2 =	slt.u32 s8, $0xFFFFF086  }
0x1c: {  	p1 =	slt.u32 s9, $0xF7A;
	s5 =	simm.s32 @!p2 $0x0  }
0x1d: {  	s5 =	simm.s32 @p1 $0x1;
	p0 =	seq.s32 s7, s2  }
0x1e: {  	s7 =	smul.u32 @!p0 $0xF7A, s2;
	p2 =	seq.s32 @!p0 s5, $0x0  }
0x1f: {  	s9 =	smul.u32 $0xF7A, s1;
	s8 =	simm.s32 @!p0 $0x1BF5;
	p2 =	por !p2, p0  }
0x20: {  	[sflag:s8] =	ssyncset.s32 @!p0 $0xFFFFF086;
	s6 =	sadd.s32 @!p0 s3, s7;
	s7 =	simm.s32 @!p0 $0x108  }
0x21: {  	s3 =	sadd.s32 s3, s9;
	s6 =	sadd.s32 @!p0 $0x88, s6;
	s7 =	simm.s32 @p2 $0x1082  }
0x22: {  	[simem:s7], [sflag:s8] =	dma.local @!p0 [hbm:s6], $0xF7A  }
0x23: {  	s9 =	sor.u32 $0xD0000000, s2;
	s6 =	simm.s32 $0x108;
	_ =	swait.ge @!p0 [sflag:s8], $0x0  }
0x24: {  	s3 =	sadd.s32 $0x88, s3;
	s6 =	simm.s32 @!p1 $0x1082;
	[sflag:s4] =	ssyncset.s32 $0xFFFFF086  }
0x25: {  	[simem:s6], [sflag:s4] =	dma.local [hbm:s3], $0xF7A  }
0x26: {  	[smem:$0x3F9E] =	sst s1;
	(tag) =	ssettag s2;
	_ =	strace s9  }
0x27: {  	s1 =	sld [smem:$0x3FAE]  }
0x28: {  	s2 =	sld [smem:$0x3FAF]  }
0x29: {  	s4 =	sld [smem:$0x3FB1]  }
0x2a: {  	p0 =	seq.s32 s5, $0x0;
	s5 =	sld [smem:$0x3FB2]  }
0x2b: {  	s6 =	sld [smem:$0x3FB3]  }
0x2c: {  	s7 =	sld [smem:$0x3FB4]  }
0x2d: {  	s3 =	simm.s32 $0x108;
	s8 =	sld [smem:$0x3FB5]  }
0x2e: {  	s3 =	simm.s32 @!p0 $0x1082;
	s9 =	sld [smem:$0x3FB6]  }
0x2f: {  	lr =	sadd.s32 s0, s3;
	s0 =	sld [smem:$0x3FAD]  }
0x30: {  	s3 =	sld [smem:$0x3FB0]  }
0x31: {  	[smem:$0x3FB9] =	sst s10  }
0x32: {  	s10 =	sld [smem:$0x3FB7];
	_ =	sdelay $0x3  }
0x33: {  	p0 =	seq.s32 s10, $0x1;
	s10 =	sld [smem:$0x3FB9];
	_ =	sdelay $0x3  }
0x34: {  	[smem:$0x3FB9] =	sst s10  }
0x35: {  	s10 =	sld [smem:$0x3FB8];
	_ =	sdelay $0x3  }
0x36: {  	p1 =	seq.s32 s10, $0x1;
	s10 =	sld [smem:$0x3FB9];
	_ =	sdelay $0x3  }
0x37: {  	[smem:$0x3FB9] =	sst s10  }
0x38: {  	s10 =	sld [smem:$0x3FBA]  }
0x39: {  	_ = 	snop;
	(pc) =	sbr.ind lr, $3  }
0x3a: {  	_ = 	snop  }
0x3b: {  	_ = 	snop  }
0x3c: {  	p2 =	seq.s32 s10, $0x1;
	s10 =	sld [smem:$0x3FB9]  }
0x3d: {  	_ =	shalt  }
0x3e: {  	_ =	shalt  }
0x3f: {  	_ =	shalt  }
0x40: {  	_ =	shalt  }
0x41: {  	_ =	shalt  }
0x42: {  	_ =	shalt  }
0x43: {  	_ =	shalt  }
0x44: {  	_ =	shalt  }
0x45: {  	_ =	shalt  }
0x46: {  	_ =	shalt  }
0x47: {  	_ =	shalt  }
0x48: {  	_ =	shalt  }
0x49: {  	_ =	shalt  }
0x4a: {  	_ =	shalt  }
0x4b: {  	_ =	shalt  }
0x4c: {  	_ =	shalt  }
0x4d: {  	_ =	shalt  }
0x4e: {  	_ =	shalt  }
0x4f: {  	_ =	shalt  }
0x50: {  	_ =	shalt  }
0x51: {  	_ =	shalt  }
0x52: {  	_ =	shalt  }
0x53: {  	_ =	shalt  }
0x54: {  	_ =	shalt  }
0x55: {  	_ =	shalt  }
0x56: {  	_ =	shalt  }
0x57: {  	_ =	shalt  }
0x58: {  	_ =	shalt  }
0x59: {  	_ =	shalt  }
0x5a: {  	_ =	shalt  }
0x5b: {  	_ =	shalt  }
0x5c: {  	_ =	shalt  }
0x5d: {  	_ =	shalt  }
0x5e: {  	_ =	shalt  }
0x5f: {  	_ =	shalt  }
0x60: {  	_ =	shalt  }
0x61: {  	_ =	shalt  }
0x62: {  	_ =	shalt  }
0x63: {  	_ =	shalt  }
0x64: {  	_ =	shalt  }
0x65: {  	_ =	shalt  }
0x66: {  	_ =	shalt  }
0x67: {  	_ =	shalt  }
0x68: {  	_ =	shalt  }
0x69: {  	_ =	shalt  }
0x6a: {  	_ =	shalt  }
0x6b: {  	_ =	shalt  }
0x6c: {  	_ =	shalt  }
0x6d: {  	_ =	shalt  }
0x6e: {  	_ =	shalt  }
0x6f: {  	_ =	shalt  }
0x70: {  	_ =	shalt  }
0x71: {  	_ =	shalt  }
0x72: {  	_ =	shalt  }
0x73: {  	_ =	shalt  }
0x74: {  	_ =	shalt  }
0x75: {  	_ =	shalt  }
0x76: {  	_ =	shalt  }
0x77: {  	_ =	shalt  }
0x78: {  	_ =	shalt  }
0x79: {  	_ =	shalt  }
0x7a: {  	_ =	shalt  }
0x7b: {  	_ =	shalt  }
0x7c: {  	_ =	shalt  }
0x7d: {  	_ =	shalt  }
0x7e: {  	_ =	shalt  }
0x7f: {  	_ =	shalt  }
0x80: {  	_ =	shalt  }
0x81: {  	_ =	shalt  }
0x82: {  	_ =	shalt  }
0x83: {  	_ =	shalt  }
0x84: {  	_ =	shalt  }
0x85: {  	_ =	shalt  }
0x86: {  	_ =	shalt  }
0x87: {  	_ =	shalt  }
.Lfunc_end0:
.L_simem_size_0:
called_computation.1_lowered:
.L_overlay_start_0:
0x88: {  	s2 =	sld [smem:$0x3FD9]  }
0x89: {  	s3 =	sld [smem:$0x3FFE];
	_ =	sdelay $0x1  }
0x8a: {  	s1 =	srdreg.scid  }
0x8b: {  	s0 =	sand.u32 $0x1, s1  }
0x8c: {  	s17 =	sshll.u32 s0, $0xA;
	s2 =	sadd.s32 s3, s2  }
0x8d: {  	s2 =	sadd.s32 s2, s17  }
0x8e: {  	[smem:$0x3FC5] =	sst s2  }
0x8f: {  	_ = 	snop  }
0x90: {  	s2 =	sld [smem:$0x3FD0];
	(tm) =	ssettm $0x1  }
0x91: {  	s18 =	sld [smem:$0x3FFB];
	_ =	sdelay $0x3  }
0x92: {  	_ =	strace s18  }
0x93: {  	s3 =	sld [smem:$0x3FFC];
	_ =	sdelay $0x3  }
0x94: {  	_ =	strace s3  }
0x95: {  	s3 =	sld [smem:$0x3FFD];
	_ =	sdelay $0x3  }
0x96: {  	_ =	strace s3  }
0x97: {  	_ =	strace $0x8FFFFFFF  }
0x98: {  	s19 =	sld [smem:$0x3FDB];
	_ =	sdelay $0x1  }
0x99: {  	s4 =	simm.s32 $_scs_section_size  }
0x9a: {  	s5 =	simm.s32 $_size__tile_overlayer_lowered;
	s6 =	simm.s32 $_tile_overlayer_lowered  }
0x9b: {  	s22 =	simm.s32 $0x1BFF;
	s21 =	sshll.u32 s6, $0x1;
	s3 =	sadd.s32 s4, s19  }
0x9c: {  	s7 =	simm.s32 $0x0;
	s20 =	sshll.u32 s5, $0x1;
	s5 =	sadd.s32 s21, s3  }
0x9d: {  	[timem:s7], [sflag:s22] =	dma.local [hbm:s5], s20  }
0x9e: {  	_ =	swait.ge [sflag:s22], s20  }
0x9f: {  	s4 =	ssub.s32 $0x0, s20;
	[sflag:s22] =	ssyncset.done $0x0  }
0xa0: {  	[sflag:s22] =	ssyncadd.s32 s4;
	_ =	sdelay $0x1  }
0xa1: {  	s23 =	simm.s32 $0x1B8B  }
0xa2: {  	_ =	swait.ge [sflag:s23], $0x1  }
0xa3: {  	[sflag:s23] =	ssyncset.done $0x0  }
0xa4: {  	s25 =	simm.s32 $0x1B8E;
	s24 =	sld [smem:$0x3FFE];
	[sflag:s23] =	ssyncadd.s32 $0xFFFFFFFF  }
0xa5: {  	s26 =	simm.s32 $execute0_lowered;
	[smem:$0x3FD2] =	sst s25  }
0xa6: {  	s5 =	sshll.u32 s26, $0x1;
	_ =	strace $0x80000046;
	[dreg:$0x1] =	wrdreg $0xFFFFFFFF  }
0xa7: {  	s28 =	simm.s32 $_size_execute0_lowered;
	s3 =	sadd.s32 s3, s5;
	[dreg:$0x0] =	wrdreg $0x0  }
0xa8: {  	s5 =	sshll.u32 s28, $0x1;
	[dreg:$0x2] =	wrdreg s3  }
0xa9: {  	[dreg:$0x3] =	wrdreg s5  }
0xaa: {  	[dreg:$0x4] =	wrdreg $0xC0  }
0xab: {  	_ =	task [dreg:s7], $0x5FFFF  }
0xac: {  	[dreg:$0x1] =	wrdreg $0xFFFFFFFF  }
0xad: {  	[dreg:$0x0] =	wrdreg $0x60  }
0xae: {  	[dreg:$0x2] =	wrdreg s2  }
0xaf: {  	[dreg:$0x3] =	wrdreg s24  }
0xb0: {  	[dreg:$0x4] =	wrdreg $0x9  }
0xb1: {  	_ =	task.clear_ibuf [dreg:s7], $0x5FFFF;
	_ =	strace $0x90000046  }
0xb2: {  	s29 =	simm.s32 $0x9;
	_ =	strace $0x80000048  }
0xb3: {  	_ =	swait.ge [sflag:s29], $0x1  }
0xb4: {  	[sflag:s29] =	ssyncadd.s32 $0xFFFFFFFF  }
0xb5: {  	_ =	strace $0x90000048  }
0xb6: {  	_ =	sfence  }
0xb7: {  	s30 =	sld [smem:$0x0];
	_ =	sdelay $0x2  }
0xb8: {  	s31 =	sshll.u32 s1, $0xD;
	s1 =	sshrl.u32 s1, $0x2  }
0xb9: {  	s3 =	sand.u32 $0x4000, s31;
	s1 =	sadd.s32 s1, s30  }
0xba: {  	s0 =	sor.u32 s3, s0;
	s1 =	sshll.u32 s1, $0x11  }
0xbb: {  	s0 =	sor.u32 s1, s0  }
0xbc: {  	s0 =	sadd.s32 $0x8F2B, s0  }
0xbd: {  	[sflag:s0] =	ssyncadd.remote.s32 $0x1  }
0xbe: {  	_ =	sfence.sel $0xFFFF  }
0xbf: {  	[dreg:$0x0] =	wrdreg $0xFFFFFFFF;
	(pc) =	sbr.abs _section_cstart, $3  }
0xc0: {  	[dreg:$0x1] =	wrdreg $0xFFFFFFFF  }
0xc1: {  	_ =	task.clear_ibuf [dreg:s7], $0x2FFFF;
	_ =	strace $0x9FFFFFFF  }
0xc2: {  	(tm) =	ssettm $0x7FFFFFFF  }
0xc3: {  	_ =	shalt  }
tec
execute0_lowered:
.L_overlay_start_1:
0x0: {  	(tag) =	ssettag $0x1  }
0x1: {  	s1 =	rddreg [dreg:$0x0]  }
0x2: {  	s0 =	rddreg [dreg:$0x1];
	s3 =	simm.s32 $0x0;
	s2 =	srdreg.scid  }
0x3: {  	s12 =	stileid.u32;
	s18 =	simm.s32 $0x7;
	s28 =	simm.s32 $0x5  }
0x4: {  	s29 =	simm.s32 $0x6;
	s30 =	simm.s32 $0x0;
	[smem:$0x7FF] =	sst s3  }
0x5: {  	s2 =	sand.u32 $0x1, s2;
	s4 =	sshll.u32 s12, $0x1;
	s8 =	smul.u32 $0xC80000, s12  }
0x6: {  	s6 =	sadd.s32 $0xE00, s0;
	s7 =	sadd.s32 $0x2600, s0;
	s23 =	smul.u32 $0xC800, s12  }
0x7: {  	_ =	strace $0x80000047;
	s5 =	sor.u32 s2, s4;
	s11 =	smul.u32 $0x640000, s2  }
0x8: {  	s4 =	sadd.s32 $0xF43200, s0;
	s19 =	ssub.s32 $0x2, s2;
	s2 =	smul.u32 $0x6400, s2  }
0x9: {  	[dreg:$0x3] =	wrdreg s6;
	s5 =	smul.u32 $0x6400, s5;
	s9 =	sshrl.u32 s19, $0x1  }
0xa: {  	s20 =	ssub.s32 s19, s9;
	s22 =	sadd.s32 s11, s8;
	s2 =	sadd.s32 s2, s23  }
0xb: {  	s19 =	simm.s32 $0x200;
	s23 =	simm.s32 $0x8400;
	s10 =	sshrl.u32 s5, $0x3  }
0xc: {  	s24 =	sor.u32 $0x400, s22;
	s11 =	sadd.s32 $0x600, s5;
	s0 =	smax.u32 s20, $0x1  }
0xd: {  	s26 =	sshrl.u32 s22, $0x2;
	[dreg:$0x8] =	wrdreg s2;
	s31 =	sor.u32 $0x200, s2  }
0xe: {  	s20 =	simm.s32 $0x400;
	s22 =	simm.s32 $0x4;
	[dreg:$0x6] =	wrdreg s0  }
0xf: {  	s21 =	sadd.s32 s1, s10;
	s10 =	sadd.s32 $0x400, s5;
	[dreg:$0xa] =	wrdreg s31  }
0x10: {  	s25 =	sshrl.u32 s24, $0x2;
	[dreg:$0x4] =	wrdreg s21;
	s6 =	sadd.s32 $0x40, s21  }
0x11: {  	s24 =	simm.s32 $0x40;
	s0 =	sadd.s32 $0x10400, s25;
	[dreg:$0x5] =	wrdreg s6  }
0x12: {  	s21 =	simm.s32 $0x1;
	[dreg:$0x7] =	wrdreg s0;
	s0 =	sadd.s32 $0x10400, s26  }
0x13: {  	s25 =	simm.s32 $0x80;
	s26 =	simm.s32 $0x2;
	[dreg:$0x9] =	wrdreg s0  }
.LBB2_1:
0x14: {  	s0 =	rddreg [dreg:$0x3];
	s2 =	simm.s32 $0x10400  }
0x15: {  	[tilespmem:s2], [sflag:$0x7] =	stream.linear.gather [hbm4b:s0+s3], $0xB200, $0x38;
	[tilespmem:$0x1B600] =	vst v63  }
0x16: {  	_ =	swait.ge [sflag:s18], $0xB200  }
0x17: {  	[sflag:s18] =	ssyncset.done $0x0  }
0x18: {  	s16 =	rddreg [dreg:$0x4];
	[sflag:s18] =	ssyncadd.s32 $0xFFFF4E00  }
0x19: {  	[tilespmem:s3], [sflag:$0x7] =	stream.linear.gather [hbm4b:s16+s3], $0x200, $0x38;
	[tilespmem:$0x1B600] =	vst v63  }
0x1a: {  	_ =	swait.ge [sflag:s18], $0x200  }
0x1b: {  	s17 =	rddreg [dreg:$0x5]  }
0x1c: {  	s31 =	rddreg [dreg:$0xa]  }
0x1d: {  	[sflag:s18] =	ssyncset.done $0x0;
	s15 =	rddreg [dreg:$0x9]  }
0x1e: {  	s14 =	rddreg [dreg:$0x8];
	[sflag:s18] =	ssyncadd.s32 $0xFFFFFE00  }
0x1f: {  	[tilespmem:s20], [sflag:$0x1] =	stream.indirect.gather [hbm4b:s4+s19], $0x40, s3, s19, $0xb8;
	[tilespmem:$0x1B600] =	vst v63  }
0x20: {  	s6 =	simm.s32 $0x0;
	s13 =	rddreg [dreg:$0x7]  }
0x21: {  	[tilespmem:s19], [sflag:$0x4] =	stream.linear.gather [hbm4b:s17+s3], $0x200, $0x38;
	[tilespmem:$0x1B600] =	vst v63  }
.LBB2_2:
0x22: {  	_ =	swait.ge [sflag:s21], $0x8000;
	s2 =	smulhi.u32 $0x51EB851F, s14  }
0x23: {  	p0 =	seq.s32 s6, $0x0;
	[sflag:s21] =	ssyncset.done $0x0  }
0x24: {  	s0 =	simm.s32 @!p0 $0x6;
	[sflag:s21] =	ssyncadd.s32 $0xFFFF8000;
	s2 =	sshrl.u32 s2, $0x6  }
0x25: {  	_ =	swait.ge @!p0 [sflag:s0], $0x8000;
	s12 =	smul.u32 $0xFFFF3800, s2  }
0x26: {  	[sflag:s0] =	ssyncset.done @!p0 $0x0  }
0x27: {  	s9 =	sshll.u32 s6, $0xA;
	[sflag:s0] =	ssyncadd.s32 @!p0 $0xFFFF8000;
	s0 =	sshra.s32 s12, $0x2  }
0x28: {  	p0 =	seq.s32 s6, $0x18;
	_ =	swait.ge [sflag:s22], $0x200;
	s0 =	sadd.s32 s0, s13  }
0x29: {  	s2 =	sadd.s32 @!p0 s9, s10;
	[sflag:s22] =	ssyncset.done $0x0;
	v0 =	vmov s0  }
0x2a: {  	s0 =	sshrl.u32 @!p0 s2, $0x3;
	[sflag:s22] =	ssyncadd.s32 $0xFFFFFE00  }
0x2b: {  	[tilespmem:s23], [sflag:$0x2] =	stream.indirect.gather [hbm4b:s4+s19], $0x40, s19, s19, $0xb8;
	[tilespmem:$0x1B600] =	vst v63  }
0x2c: {  	s17 =	simm.s32 $0x0;
	s2 =	simm.s32 @!p0 $0x0;
	s0 =	sadd.s32 @!p0 s1, s0  }
0x2d: {  	[tilespmem:s2], [sflag:$0x3] =	stream.linear.gather @!p0 [hbm4b:s0+s2], $0x200, $0x38;
	[tilespmem:$0x1B600] =	vst v63  }
0x2e: {  	v1 =	vld.idx.msk [tilespmem:v0+s17+$0xFFFFFF00 ss:$0x1], $0xffff;
	_ =	sdelay $0x4  }
0x2f: {  	[tilespmem:s17+$0x400] =	vst.add.f32.msk $0xffff, v1  }
0x30: {  	v1 =	vld.idx.msk [tilespmem:v0+s17+$0xFFFFFF10 ss:$0x1], $0xffff;
	_ =	sdelay $0x4  }
0x31: {  	[tilespmem:s17+$0x410] =	vst.add.f32.msk $0xffff, v1  }
0x32: {  	v1 =	vld.idx.msk [tilespmem:v0+s17+$0xFFFFFF20 ss:$0x1], $0xffff;
	_ =	sdelay $0x4  }
0x33: {  	[tilespmem:s17+$0x420] =	vst.add.f32.msk $0xffff, v1  }
0x34: {  	v1 =	vld.idx.msk [tilespmem:v0+s17+$0xFFFFFF30 ss:$0x1], $0xffff;
	_ =	sdelay $0x4  }
0x35: {  	[tilespmem:s17+$0x430] =	vst.add.f32.msk $0xffff, v1  }
0x36: {  	v1 =	vld.idx.msk [tilespmem:v0+s17+$0xFFFFFF40 ss:$0x1], $0xffff;
	_ =	sdelay $0x4  }
0x37: {  	[tilespmem:s17+$0x440] =	vst.add.f32.msk $0xffff, v1  }
0x38: {  	v1 =	vld.idx.msk [tilespmem:v0+s17+$0xFFFFFF50 ss:$0x1], $0xffff;
	_ =	sdelay $0x4  }
0x39: {  	[tilespmem:s17+$0x450] =	vst.add.f32.msk $0xffff, v1  }
0x3a: {  	v1 =	vld.idx.msk [tilespmem:v0+s17+$0xFFFFFF60 ss:$0x1], $0xffff;
	_ =	sdelay $0x4  }
0x3b: {  	[tilespmem:s17+$0x460] =	vst.add.f32.msk $0xffff, v1  }
0x3c: {  	v1 =	vld.idx.msk [tilespmem:v0+s17+$0xFFFFFF70 ss:$0x1], $0xffff;
	_ =	sdelay $0x4  }
0x3d: {  	[tilespmem:s17+$0x470] =	vst.add.f32.msk $0xffff, v1  }
0x3e: {  	v1 =	vld.idx.msk [tilespmem:v0+s17+$0xFFFFFF80 ss:$0x1], $0xffff;
	_ =	sdelay $0x4  }
0x3f: {  	[tilespmem:s17+$0x480] =	vst.add.f32.msk $0xffff, v1  }
0x40: {  	v1 =	vld.idx.msk [tilespmem:v0+s17+$0xFFFFFF90 ss:$0x1], $0xffff;
	_ =	sdelay $0x4  }
0x41: {  	[tilespmem:s17+$0x490] =	vst.add.f32.msk $0xffff, v1  }
0x42: {  	v1 =	vld.idx.msk [tilespmem:v0+s17+$0xFFFFFFA0 ss:$0x1], $0xffff;
	_ =	sdelay $0x4  }
0x43: {  	[tilespmem:s17+$0x4A0] =	vst.add.f32.msk $0xffff, v1  }
0x44: {  	v1 =	vld.idx.msk [tilespmem:v0+s17+$0xFFFFFFB0 ss:$0x1], $0xffff;
	_ =	sdelay $0x4  }
0x45: {  	[tilespmem:s17+$0x4B0] =	vst.add.f32.msk $0xffff, v1  }
0x46: {  	v1 =	vld.idx.msk [tilespmem:v0+s17+$0xFFFFFFC0 ss:$0x1], $0xffff;
	_ =	sdelay $0x4  }
0x47: {  	[tilespmem:s17+$0x4C0] =	vst.add.f32.msk $0xffff, v1  }
0x48: {  	v1 =	vld.idx.msk [tilespmem:v0+s17+$0xFFFFFFD0 ss:$0x1], $0xffff;
	_ =	sdelay $0x4  }
0x49: {  	[tilespmem:s17+$0x4D0] =	vst.add.f32.msk $0xffff, v1  }
0x4a: {  	v1 =	vld.idx.msk [tilespmem:v0+s17+$0xFFFFFFE0 ss:$0x1], $0xffff;
	_ =	sdelay $0x4  }
0x4b: {  	[tilespmem:s17+$0x4E0] =	vst.add.f32.msk $0xffff, v1  }
0x4c: {  	v1 =	vld.idx.msk [tilespmem:v0+s17+$0xFFFFFFF0 ss:$0x1], $0xffff;
	_ =	sdelay $0x4  }
0x4d: {  	[tilespmem:s17+$0x4F0] =	vst.add.f32.msk $0xffff, v1  }
0x4e: {  	v1 =	vld.idx.msk [tilespmem:v0+s17+$0x0 ss:$0x1], $0xffff;
	_ =	sdelay $0x4  }
0x4f: {  	[tilespmem:s17+$0x500] =	vst.add.f32.msk $0xffff, v1  }
0x50: {  	v1 =	vld.idx.msk [tilespmem:v0+s17+$0x10 ss:$0x1], $0xffff;
	_ =	sdelay $0x4  }
0x51: {  	[tilespmem:s17+$0x510] =	vst.add.f32.msk $0xffff, v1  }
0x52: {  	v1 =	vld.idx.msk [tilespmem:v0+s17+$0x20 ss:$0x1], $0xffff;
	_ =	sdelay $0x4  }
0x53: {  	[tilespmem:s17+$0x520] =	vst.add.f32.msk $0xffff, v1  }
0x54: {  	v1 =	vld.idx.msk [tilespmem:v0+s17+$0x30 ss:$0x1], $0xffff;
	_ =	sdelay $0x4  }
0x55: {  	[tilespmem:s17+$0x530] =	vst.add.f32.msk $0xffff, v1  }
0x56: {  	v1 =	vld.idx.msk [tilespmem:v0+s17+$0x40 ss:$0x1], $0xffff;
	_ =	sdelay $0x4  }
0x57: {  	[tilespmem:s17+$0x540] =	vst.add.f32.msk $0xffff, v1  }
0x58: {  	v1 =	vld.idx.msk [tilespmem:v0+s17+$0x50 ss:$0x1], $0xffff;
	_ =	sdelay $0x4  }
0x59: {  	[tilespmem:s17+$0x550] =	vst.add.f32.msk $0xffff, v1  }
0x5a: {  	v1 =	vld.idx.msk [tilespmem:v0+s17+$0x60 ss:$0x1], $0xffff;
	_ =	sdelay $0x4  }
0x5b: {  	[tilespmem:s17+$0x560] =	vst.add.f32.msk $0xffff, v1  }
0x5c: {  	v1 =	vld.idx.msk [tilespmem:v0+s17+$0x70 ss:$0x1], $0xffff;
	_ =	sdelay $0x4  }
0x5d: {  	[tilespmem:s17+$0x570] =	vst.add.f32.msk $0xffff, v1  }
0x5e: {  	v1 =	vld.idx.msk [tilespmem:v0+s17+$0x80 ss:$0x1], $0xffff;
	_ =	sdelay $0x4  }
0x5f: {  	[tilespmem:s17+$0x580] =	vst.add.f32.msk $0xffff, v1  }
0x60: {  	v1 =	vld.idx.msk [tilespmem:v0+s17+$0x90 ss:$0x1], $0xffff;
	_ =	sdelay $0x4  }
0x61: {  	[tilespmem:s17+$0x590] =	vst.add.f32.msk $0xffff, v1  }
0x62: {  	v1 =	vld.idx.msk [tilespmem:v0+s17+$0xA0 ss:$0x1], $0xffff;
	_ =	sdelay $0x4  }
0x63: {  	[tilespmem:s17+$0x5A0] =	vst.add.f32.msk $0xffff, v1  }
0x64: {  	v1 =	vld.idx.msk [tilespmem:v0+s17+$0xB0 ss:$0x1], $0xffff;
	_ =	sdelay $0x4  }
0x65: {  	[tilespmem:s17+$0x5B0] =	vst.add.f32.msk $0xffff, v1  }
0x66: {  	v1 =	vld.idx.msk [tilespmem:v0+s17+$0xC0 ss:$0x1], $0xffff;
	_ =	sdelay $0x4  }
0x67: {  	[tilespmem:s17+$0x5C0] =	vst.add.f32.msk $0xffff, v1  }
0x68: {  	v1 =	vld.idx.msk [tilespmem:v0+s17+$0xD0 ss:$0x1], $0xffff;
	_ =	sdelay $0x4  }
0x69: {  	[tilespmem:s17+$0x5D0] =	vst.add.f32.msk $0xffff, v1  }
0x6a: {  	v1 =	vld.idx.msk [tilespmem:v0+s17+$0xE0 ss:$0x1], $0xffff;
	_ =	sdelay $0x3  }
0x6b: {  	s16 =	smulhi.u32 $0x51EB851F, s31  }
0x6c: {  	[tilespmem:s17+$0x5E0] =	vst.add.f32.msk $0xffff, v1  }
0x6d: {  	s0 =	sshrl.u32 s16, $0x6;
	v1 =	vld.idx.msk [tilespmem:v0+s17+$0xF0 ss:$0x1], $0xffff  }
0x6e: {  	s0 =	smul.u32 $0xFFFF3800, s0;
	_ =	sdelay $0x1  }
0x6f: {  	s8 =	simm.s32 $0x0;
	s12 =	sor.u32 $0x200, s9;
	s0 =	sshra.s32 s0, $0x2  }
0x70: {  	s16 =	sadd.s32 s5, s9;
	s2 =	simm.s32 $0x800;
	s0 =	sadd.s32 s0, s15  }
.LBB2_3:
0x71: {  	s8 =	sadd.s32 $0x8, s8;
	[tilespmem:s17+$0x5F0] =	vst.add.f32.msk $0xffff, v1;
	s17 =	sshra.s32 s2, $0x2  }
0x72: {  	v1 =	vld.idx.msk [tilespmem:v0+s17+$0xFFFFFF00 ss:$0x1], $0xffff;
	p1 =	slt.u32 s8, $0x1F8;
	_ =	sdelay $0x5  }
0x73: {  	[tilespmem:s17+$0x400] =	vst.add.f32.msk $0xffff, v1  }
0x74: {  	v1 =	vld.idx.msk [tilespmem:v0+s17+$0xFFFFFF10 ss:$0x1], $0xffff;
	_ =	sdelay $0x5  }
0x75: {  	[tilespmem:s17+$0x410] =	vst.add.f32.msk $0xffff, v1  }
0x76: {  	v1 =	vld.idx.msk [tilespmem:v0+s17+$0xFFFFFF20 ss:$0x1], $0xffff;
	_ =	sdelay $0x5  }
0x77: {  	[tilespmem:s17+$0x420] =	vst.add.f32.msk $0xffff, v1  }
0x78: {  	v1 =	vld.idx.msk [tilespmem:v0+s17+$0xFFFFFF30 ss:$0x1], $0xffff;
	_ =	sdelay $0x5  }
0x79: {  	[tilespmem:s17+$0x430] =	vst.add.f32.msk $0xffff, v1  }
0x7a: {  	v1 =	vld.idx.msk [tilespmem:v0+s17+$0xFFFFFF40 ss:$0x1], $0xffff;
	_ =	sdelay $0x5  }
0x7b: {  	[tilespmem:s17+$0x440] =	vst.add.f32.msk $0xffff, v1  }
0x7c: {  	v1 =	vld.idx.msk [tilespmem:v0+s17+$0xFFFFFF50 ss:$0x1], $0xffff;
	_ =	sdelay $0x5  }
0x7d: {  	[tilespmem:s17+$0x450] =	vst.add.f32.msk $0xffff, v1  }
0x7e: {  	v1 =	vld.idx.msk [tilespmem:v0+s17+$0xFFFFFF60 ss:$0x1], $0xffff;
	_ =	sdelay $0x5  }
0x7f: {  	[tilespmem:s17+$0x460] =	vst.add.f32.msk $0xffff, v1  }
0x80: {  	v1 =	vld.idx.msk [tilespmem:v0+s17+$0xFFFFFF70 ss:$0x1], $0xffff;
	_ =	sdelay $0x5  }
0x81: {  	[tilespmem:s17+$0x470] =	vst.add.f32.msk $0xffff, v1  }
0x82: {  	v1 =	vld.idx.msk [tilespmem:v0+s17+$0xFFFFFF80 ss:$0x1], $0xffff;
	_ =	sdelay $0x5  }
0x83: {  	[tilespmem:s17+$0x480] =	vst.add.f32.msk $0xffff, v1  }
0x84: {  	v1 =	vld.idx.msk [tilespmem:v0+s17+$0xFFFFFF90 ss:$0x1], $0xffff;
	_ =	sdelay $0x5  }
0x85: {  	[tilespmem:s17+$0x490] =	vst.add.f32.msk $0xffff, v1  }
0x86: {  	v1 =	vld.idx.msk [tilespmem:v0+s17+$0xFFFFFFA0 ss:$0x1], $0xffff;
	_ =	sdelay $0x5  }
0x87: {  	[tilespmem:s17+$0x4A0] =	vst.add.f32.msk $0xffff, v1  }
0x88: {  	v1 =	vld.idx.msk [tilespmem:v0+s17+$0xFFFFFFB0 ss:$0x1], $0xffff;
	_ =	sdelay $0x5  }
0x89: {  	[tilespmem:s17+$0x4B0] =	vst.add.f32.msk $0xffff, v1  }
0x8a: {  	v1 =	vld.idx.msk [tilespmem:v0+s17+$0xFFFFFFC0 ss:$0x1], $0xffff;
	_ =	sdelay $0x5  }
0x8b: {  	[tilespmem:s17+$0x4C0] =	vst.add.f32.msk $0xffff, v1  }
0x8c: {  	v1 =	vld.idx.msk [tilespmem:v0+s17+$0xFFFFFFD0 ss:$0x1], $0xffff;
	_ =	sdelay $0x5  }
0x8d: {  	[tilespmem:s17+$0x4D0] =	vst.add.f32.msk $0xffff, v1  }
0x8e: {  	v1 =	vld.idx.msk [tilespmem:v0+s17+$0xFFFFFFE0 ss:$0x1], $0xffff;
	_ =	sdelay $0x5  }
0x8f: {  	[tilespmem:s17+$0x4E0] =	vst.add.f32.msk $0xffff, v1  }
0x90: {  	v1 =	vld.idx.msk [tilespmem:v0+s17+$0xFFFFFFF0 ss:$0x1], $0xffff;
	_ =	sdelay $0x5  }
0x91: {  	[tilespmem:s17+$0x4F0] =	vst.add.f32.msk $0xffff, v1  }
0x92: {  	v1 =	vld.idx.msk [tilespmem:v0+s17+$0x0 ss:$0x1], $0xffff;
	_ =	sdelay $0x5  }
0x93: {  	[tilespmem:s17+$0x500] =	vst.add.f32.msk $0xffff, v1  }
0x94: {  	v1 =	vld.idx.msk [tilespmem:v0+s17+$0x10 ss:$0x1], $0xffff;
	_ =	sdelay $0x5  }
0x95: {  	[tilespmem:s17+$0x510] =	vst.add.f32.msk $0xffff, v1  }
0x96: {  	v1 =	vld.idx.msk [tilespmem:v0+s17+$0x20 ss:$0x1], $0xffff;
	_ =	sdelay $0x5  }
0x97: {  	[tilespmem:s17+$0x520] =	vst.add.f32.msk $0xffff, v1  }
0x98: {  	v1 =	vld.idx.msk [tilespmem:v0+s17+$0x30 ss:$0x1], $0xffff;
	_ =	sdelay $0x5  }
0x99: {  	[tilespmem:s17+$0x530] =	vst.add.f32.msk $0xffff, v1  }
0x9a: {  	v1 =	vld.idx.msk [tilespmem:v0+s17+$0x40 ss:$0x1], $0xffff;
	_ =	sdelay $0x5  }
0x9b: {  	[tilespmem:s17+$0x540] =	vst.add.f32.msk $0xffff, v1  }
0x9c: {  	v1 =	vld.idx.msk [tilespmem:v0+s17+$0x50 ss:$0x1], $0xffff;
	_ =	sdelay $0x5  }
0x9d: {  	[tilespmem:s17+$0x550] =	vst.add.f32.msk $0xffff, v1  }
0x9e: {  	v1 =	vld.idx.msk [tilespmem:v0+s17+$0x60 ss:$0x1], $0xffff;
	_ =	sdelay $0x5  }
0x9f: {  	[tilespmem:s17+$0x560] =	vst.add.f32.msk $0xffff, v1  }
0xa0: {  	v1 =	vld.idx.msk [tilespmem:v0+s17+$0x70 ss:$0x1], $0xffff;
	_ =	sdelay $0x5  }
0xa1: {  	[tilespmem:s17+$0x570] =	vst.add.f32.msk $0xffff, v1  }
0xa2: {  	v1 =	vld.idx.msk [tilespmem:v0+s17+$0x80 ss:$0x1], $0xffff;
	_ =	sdelay $0x5  }
0xa3: {  	[tilespmem:s17+$0x580] =	vst.add.f32.msk $0xffff, v1  }
0xa4: {  	v1 =	vld.idx.msk [tilespmem:v0+s17+$0x90 ss:$0x1], $0xffff;
	_ =	sdelay $0x5  }
0xa5: {  	[tilespmem:s17+$0x590] =	vst.add.f32.msk $0xffff, v1  }
0xa6: {  	v1 =	vld.idx.msk [tilespmem:v0+s17+$0xA0 ss:$0x1], $0xffff;
	_ =	sdelay $0x5  }
0xa7: {  	[tilespmem:s17+$0x5A0] =	vst.add.f32.msk $0xffff, v1  }
0xa8: {  	v1 =	vld.idx.msk [tilespmem:v0+s17+$0xB0 ss:$0x1], $0xffff;
	_ =	sdelay $0x5  }
0xa9: {  	[tilespmem:s17+$0x5B0] =	vst.add.f32.msk $0xffff, v1  }
0xaa: {  	v1 =	vld.idx.msk [tilespmem:v0+s17+$0xC0 ss:$0x1], $0xffff;
	_ =	sdelay $0x5  }
0xab: {  	[tilespmem:s17+$0x5C0] =	vst.add.f32.msk $0xffff, v1  }
0xac: {  	v1 =	vld.idx.msk [tilespmem:v0+s17+$0xD0 ss:$0x1], $0xffff;
	_ =	sdelay $0x5  }
0xad: {  	[tilespmem:s17+$0x5D0] =	vst.add.f32.msk $0xffff, v1  }
0xae: {  	v1 =	vld.idx.msk [tilespmem:v0+s17+$0xE0 ss:$0x1], $0xffff;
	_ =	sdelay $0x5  }
0xaf: {  	[tilespmem:s17+$0x5E0] =	vst.add.f32.msk $0xffff, v1  }
0xb0: {  	v1 =	vld.idx.msk [tilespmem:v0+s17+$0xF0 ss:$0x1], $0xffff  }
.Ltmp0:
0xb1: {  	(pc) =	sbr.rel @p1 .LBB2_3-.Ltmp0, $2  }
0xb2: {  	_ =	sdelay $0x2  }
0xb3: {  	s2 =	sadd.s32 $0x800, s2  }
0xb4: {  	s2 =	sshll.u32 s16, $0x4  }
0xb5: {  	[tilespmem:s17+$0x5F0] =	vst.add.f32.msk $0xffff, v1;
	s2 =	sadd.s32 s7, s2  }
0xb6: {  	[hbm4b:s2+s24] =	stream.strided.scatter [tilespmem:s20], [sflag:$0x5], $0x8000, s25, s24, $0x38;
	[tilespmem:$0x1B600] =	vst v63  }
0xb7: {  	_ =	swait.ge [sflag:s26], $0x8000  }
0xb8: {  	[sflag:s26] =	ssyncset.done $0x0  }
0xb9: {  	s2 =	simm.s32 @!p0 $0x5;
	[sflag:s26] =	ssyncadd.s32 $0xFFFF8000  }
0xba: {  	_ =	swait.ge @!p0 [sflag:s2], $0x8000  }
0xbb: {  	[sflag:s2] =	ssyncset.done @!p0 $0x0  }
0xbc: {  	[sflag:s2] =	ssyncadd.s32 @!p0 $0xFFFF8000;
	s2 =	simm.s32 @!p0 $0x3  }
0xbd: {  	s8 =	simm.s32 @!p0 $0x0;
	_ =	swait.ge @!p0 [sflag:s2], $0x200  }
0xbe: {  	s16 =	simm.s32 @!p0 $0x400;
	s9 =	sadd.s32 @!p0 s9, s11;
	v0 =	vmov s0;
	[sflag:s2] =	ssyncset.done @!p0 $0x0  }
0xbf: {  	s0 =	sshrl.u32 @!p0 s9, $0x3;
	[sflag:s2] =	ssyncadd.s32 @!p0 $0xFFFFFE00;
	s2 =	simm.s32 @!p0 $0x200  }
0xc0: {  	[tilespmem:s16], [sflag:$0x1] =	stream.indirect.gather @!p0 [hbm4b:s4+s2], $0x40, s8, s2, $0xb8;
	[tilespmem:$0x1B600] =	vst v63  }
0xc1: {  	s9 =	simm.s32 $0x0;
	s0 =	sadd.s32 @!p0 s1, s0  }
0xc2: {  	[tilespmem:s2], [sflag:$0x4] =	stream.linear.gather @!p0 [hbm4b:s0+s8], $0x200, $0x38;
	[tilespmem:$0x1B600] =	vst v63  }
0xc3: {  	v1 =	vld.idx.msk [tilespmem:v0+s9+$0x8000 ss:$0x1], $0xffff;
	_ =	sdelay $0x4  }
0xc4: {  	[tilespmem:s9+$0x8400] =	vst.add.f32.msk $0xffff, v1  }
0xc5: {  	v1 =	vld.idx.msk [tilespmem:v0+s9+$0x8010 ss:$0x1], $0xffff;
	_ =	sdelay $0x4  }
0xc6: {  	[tilespmem:s9+$0x8410] =	vst.add.f32.msk $0xffff, v1  }
0xc7: {  	v1 =	vld.idx.msk [tilespmem:v0+s9+$0x8020 ss:$0x1], $0xffff;
	_ =	sdelay $0x4  }
0xc8: {  	[tilespmem:s9+$0x8420] =	vst.add.f32.msk $0xffff, v1  }
0xc9: {  	v1 =	vld.idx.msk [tilespmem:v0+s9+$0x8030 ss:$0x1], $0xffff;
	_ =	sdelay $0x4  }
0xca: {  	[tilespmem:s9+$0x8430] =	vst.add.f32.msk $0xffff, v1  }
0xcb: {  	v1 =	vld.idx.msk [tilespmem:v0+s9+$0x8040 ss:$0x1], $0xffff;
	_ =	sdelay $0x4  }
0xcc: {  	[tilespmem:s9+$0x8440] =	vst.add.f32.msk $0xffff, v1  }
0xcd: {  	v1 =	vld.idx.msk [tilespmem:v0+s9+$0x8050 ss:$0x1], $0xffff;
	_ =	sdelay $0x4  }
0xce: {  	[tilespmem:s9+$0x8450] =	vst.add.f32.msk $0xffff, v1  }
0xcf: {  	v1 =	vld.idx.msk [tilespmem:v0+s9+$0x8060 ss:$0x1], $0xffff;
	_ =	sdelay $0x4  }
0xd0: {  	[tilespmem:s9+$0x8460] =	vst.add.f32.msk $0xffff, v1  }
0xd1: {  	v1 =	vld.idx.msk [tilespmem:v0+s9+$0x8070 ss:$0x1], $0xffff;
	_ =	sdelay $0x4  }
0xd2: {  	[tilespmem:s9+$0x8470] =	vst.add.f32.msk $0xffff, v1  }
0xd3: {  	v1 =	vld.idx.msk [tilespmem:v0+s9+$0x8080 ss:$0x1], $0xffff;
	_ =	sdelay $0x4  }
0xd4: {  	[tilespmem:s9+$0x8480] =	vst.add.f32.msk $0xffff, v1  }
0xd5: {  	v1 =	vld.idx.msk [tilespmem:v0+s9+$0x8090 ss:$0x1], $0xffff;
	_ =	sdelay $0x4  }
0xd6: {  	[tilespmem:s9+$0x8490] =	vst.add.f32.msk $0xffff, v1  }
0xd7: {  	v1 =	vld.idx.msk [tilespmem:v0+s9+$0x80A0 ss:$0x1], $0xffff;
	_ =	sdelay $0x4  }
0xd8: {  	[tilespmem:s9+$0x84A0] =	vst.add.f32.msk $0xffff, v1  }
0xd9: {  	v1 =	vld.idx.msk [tilespmem:v0+s9+$0x80B0 ss:$0x1], $0xffff;
	_ =	sdelay $0x4  }
0xda: {  	[tilespmem:s9+$0x84B0] =	vst.add.f32.msk $0xffff, v1  }
0xdb: {  	v1 =	vld.idx.msk [tilespmem:v0+s9+$0x80C0 ss:$0x1], $0xffff;
	_ =	sdelay $0x4  }
0xdc: {  	[tilespmem:s9+$0x84C0] =	vst.add.f32.msk $0xffff, v1  }
0xdd: {  	v1 =	vld.idx.msk [tilespmem:v0+s9+$0x80D0 ss:$0x1], $0xffff;
	_ =	sdelay $0x4  }
0xde: {  	[tilespmem:s9+$0x84D0] =	vst.add.f32.msk $0xffff, v1  }
0xdf: {  	v1 =	vld.idx.msk [tilespmem:v0+s9+$0x80E0 ss:$0x1], $0xffff;
	_ =	sdelay $0x4  }
0xe0: {  	[tilespmem:s9+$0x84E0] =	vst.add.f32.msk $0xffff, v1  }
0xe1: {  	v1 =	vld.idx.msk [tilespmem:v0+s9+$0x80F0 ss:$0x1], $0xffff;
	_ =	sdelay $0x4  }
0xe2: {  	[tilespmem:s9+$0x84F0] =	vst.add.f32.msk $0xffff, v1  }
0xe3: {  	v1 =	vld.idx.msk [tilespmem:v0+s9+$0x8100 ss:$0x1], $0xffff;
	_ =	sdelay $0x4  }
0xe4: {  	[tilespmem:s9+$0x8500] =	vst.add.f32.msk $0xffff, v1  }
0xe5: {  	v1 =	vld.idx.msk [tilespmem:v0+s9+$0x8110 ss:$0x1], $0xffff;
	_ =	sdelay $0x4  }
0xe6: {  	[tilespmem:s9+$0x8510] =	vst.add.f32.msk $0xffff, v1  }
0xe7: {  	v1 =	vld.idx.msk [tilespmem:v0+s9+$0x8120 ss:$0x1], $0xffff;
	_ =	sdelay $0x4  }
0xe8: {  	[tilespmem:s9+$0x8520] =	vst.add.f32.msk $0xffff, v1  }
0xe9: {  	v1 =	vld.idx.msk [tilespmem:v0+s9+$0x8130 ss:$0x1], $0xffff;
	_ =	sdelay $0x4  }
0xea: {  	[tilespmem:s9+$0x8530] =	vst.add.f32.msk $0xffff, v1  }
0xeb: {  	v1 =	vld.idx.msk [tilespmem:v0+s9+$0x8140 ss:$0x1], $0xffff;
	_ =	sdelay $0x4  }
0xec: {  	[tilespmem:s9+$0x8540] =	vst.add.f32.msk $0xffff, v1  }
0xed: {  	v1 =	vld.idx.msk [tilespmem:v0+s9+$0x8150 ss:$0x1], $0xffff;
	_ =	sdelay $0x4  }
0xee: {  	[tilespmem:s9+$0x8550] =	vst.add.f32.msk $0xffff, v1  }
0xef: {  	v1 =	vld.idx.msk [tilespmem:v0+s9+$0x8160 ss:$0x1], $0xffff;
	_ =	sdelay $0x4  }
0xf0: {  	[tilespmem:s9+$0x8560] =	vst.add.f32.msk $0xffff, v1  }
0xf1: {  	v1 =	vld.idx.msk [tilespmem:v0+s9+$0x8170 ss:$0x1], $0xffff;
	_ =	sdelay $0x4  }
0xf2: {  	[tilespmem:s9+$0x8570] =	vst.add.f32.msk $0xffff, v1  }
0xf3: {  	v1 =	vld.idx.msk [tilespmem:v0+s9+$0x8180 ss:$0x1], $0xffff;
	_ =	sdelay $0x4  }
0xf4: {  	[tilespmem:s9+$0x8580] =	vst.add.f32.msk $0xffff, v1  }
0xf5: {  	v1 =	vld.idx.msk [tilespmem:v0+s9+$0x8190 ss:$0x1], $0xffff;
	_ =	sdelay $0x4  }
0xf6: {  	[tilespmem:s9+$0x8590] =	vst.add.f32.msk $0xffff, v1  }
0xf7: {  	v1 =	vld.idx.msk [tilespmem:v0+s9+$0x81A0 ss:$0x1], $0xffff;
	_ =	sdelay $0x4  }
0xf8: {  	[tilespmem:s9+$0x85A0] =	vst.add.f32.msk $0xffff, v1  }
0xf9: {  	v1 =	vld.idx.msk [tilespmem:v0+s9+$0x81B0 ss:$0x1], $0xffff;
	_ =	sdelay $0x4  }
0xfa: {  	[tilespmem:s9+$0x85B0] =	vst.add.f32.msk $0xffff, v1  }
0xfb: {  	v1 =	vld.idx.msk [tilespmem:v0+s9+$0x81C0 ss:$0x1], $0xffff;
	_ =	sdelay $0x4  }
0xfc: {  	[tilespmem:s9+$0x85C0] =	vst.add.f32.msk $0xffff, v1  }
0xfd: {  	v1 =	vld.idx.msk [tilespmem:v0+s9+$0x81D0 ss:$0x1], $0xffff;
	_ =	sdelay $0x4  }
0xfe: {  	[tilespmem:s9+$0x85D0] =	vst.add.f32.msk $0xffff, v1  }
0xff: {  	v1 =	vld.idx.msk [tilespmem:v0+s9+$0x81E0 ss:$0x1], $0xffff;
	_ =	sdelay $0x4  }
0x100: {  	[tilespmem:s9+$0x85E0] =	vst.add.f32.msk $0xffff, v1  }
0x101: {  	v1 =	vld.idx.msk [tilespmem:v0+s9+$0x81F0 ss:$0x1], $0xffff;
	_ =	sdelay $0x3  }
0x102: {  	s0 =	sadd.s32 s5, s12;
	s8 =	simm.s32 $0x0;
	s2 =	simm.s32 $0x800  }
.LBB2_5:
0x103: {  	s8 =	sadd.s32 $0x8, s8;
	[tilespmem:s9+$0x85F0] =	vst.add.f32.msk $0xffff, v1;
	s9 =	sshra.s32 s2, $0x2  }
0x104: {  	v1 =	vld.idx.msk [tilespmem:v0+s9+$0x8000 ss:$0x1], $0xffff;
	p0 =	slt.u32 s8, $0x1F8;
	_ =	sdelay $0x5  }
0x105: {  	[tilespmem:s9+$0x8400] =	vst.add.f32.msk $0xffff, v1  }
0x106: {  	v1 =	vld.idx.msk [tilespmem:v0+s9+$0x8010 ss:$0x1], $0xffff;
	_ =	sdelay $0x5  }
0x107: {  	[tilespmem:s9+$0x8410] =	vst.add.f32.msk $0xffff, v1  }
0x108: {  	v1 =	vld.idx.msk [tilespmem:v0+s9+$0x8020 ss:$0x1], $0xffff;
	_ =	sdelay $0x5  }
0x109: {  	[tilespmem:s9+$0x8420] =	vst.add.f32.msk $0xffff, v1  }
0x10a: {  	v1 =	vld.idx.msk [tilespmem:v0+s9+$0x8030 ss:$0x1], $0xffff;
	_ =	sdelay $0x5  }
0x10b: {  	[tilespmem:s9+$0x8430] =	vst.add.f32.msk $0xffff, v1  }
0x10c: {  	v1 =	vld.idx.msk [tilespmem:v0+s9+$0x8040 ss:$0x1], $0xffff;
	_ =	sdelay $0x5  }
0x10d: {  	[tilespmem:s9+$0x8440] =	vst.add.f32.msk $0xffff, v1  }
0x10e: {  	v1 =	vld.idx.msk [tilespmem:v0+s9+$0x8050 ss:$0x1], $0xffff;
	_ =	sdelay $0x5  }
0x10f: {  	[tilespmem:s9+$0x8450] =	vst.add.f32.msk $0xffff, v1  }
0x110: {  	v1 =	vld.idx.msk [tilespmem:v0+s9+$0x8060 ss:$0x1], $0xffff;
	_ =	sdelay $0x5  }
0x111: {  	[tilespmem:s9+$0x8460] =	vst.add.f32.msk $0xffff, v1  }
0x112: {  	v1 =	vld.idx.msk [tilespmem:v0+s9+$0x8070 ss:$0x1], $0xffff;
	_ =	sdelay $0x5  }
0x113: {  	[tilespmem:s9+$0x8470] =	vst.add.f32.msk $0xffff, v1  }
0x114: {  	v1 =	vld.idx.msk [tilespmem:v0+s9+$0x8080 ss:$0x1], $0xffff;
	_ =	sdelay $0x5  }
0x115: {  	[tilespmem:s9+$0x8480] =	vst.add.f32.msk $0xffff, v1  }
0x116: {  	v1 =	vld.idx.msk [tilespmem:v0+s9+$0x8090 ss:$0x1], $0xffff;
	_ =	sdelay $0x5  }
0x117: {  	[tilespmem:s9+$0x8490] =	vst.add.f32.msk $0xffff, v1  }
0x118: {  	v1 =	vld.idx.msk [tilespmem:v0+s9+$0x80A0 ss:$0x1], $0xffff;
	_ =	sdelay $0x5  }
0x119: {  	[tilespmem:s9+$0x84A0] =	vst.add.f32.msk $0xffff, v1  }
0x11a: {  	v1 =	vld.idx.msk [tilespmem:v0+s9+$0x80B0 ss:$0x1], $0xffff;
	_ =	sdelay $0x5  }
0x11b: {  	[tilespmem:s9+$0x84B0] =	vst.add.f32.msk $0xffff, v1  }
0x11c: {  	v1 =	vld.idx.msk [tilespmem:v0+s9+$0x80C0 ss:$0x1], $0xffff;
	_ =	sdelay $0x5  }
0x11d: {  	[tilespmem:s9+$0x84C0] =	vst.add.f32.msk $0xffff, v1  }
0x11e: {  	v1 =	vld.idx.msk [tilespmem:v0+s9+$0x80D0 ss:$0x1], $0xffff;
	_ =	sdelay $0x5  }
0x11f: {  	[tilespmem:s9+$0x84D0] =	vst.add.f32.msk $0xffff, v1  }
0x120: {  	v1 =	vld.idx.msk [tilespmem:v0+s9+$0x80E0 ss:$0x1], $0xffff;
	_ =	sdelay $0x5  }
0x121: {  	[tilespmem:s9+$0x84E0] =	vst.add.f32.msk $0xffff, v1  }
0x122: {  	v1 =	vld.idx.msk [tilespmem:v0+s9+$0x80F0 ss:$0x1], $0xffff;
	_ =	sdelay $0x5  }
0x123: {  	[tilespmem:s9+$0x84F0] =	vst.add.f32.msk $0xffff, v1  }
0x124: {  	v1 =	vld.idx.msk [tilespmem:v0+s9+$0x8100 ss:$0x1], $0xffff;
	_ =	sdelay $0x5  }
0x125: {  	[tilespmem:s9+$0x8500] =	vst.add.f32.msk $0xffff, v1  }
0x126: {  	v1 =	vld.idx.msk [tilespmem:v0+s9+$0x8110 ss:$0x1], $0xffff;
	_ =	sdelay $0x5  }
0x127: {  	[tilespmem:s9+$0x8510] =	vst.add.f32.msk $0xffff, v1  }
0x128: {  	v1 =	vld.idx.msk [tilespmem:v0+s9+$0x8120 ss:$0x1], $0xffff;
	_ =	sdelay $0x5  }
0x129: {  	[tilespmem:s9+$0x8520] =	vst.add.f32.msk $0xffff, v1  }
0x12a: {  	v1 =	vld.idx.msk [tilespmem:v0+s9+$0x8130 ss:$0x1], $0xffff;
	_ =	sdelay $0x5  }
0x12b: {  	[tilespmem:s9+$0x8530] =	vst.add.f32.msk $0xffff, v1  }
0x12c: {  	v1 =	vld.idx.msk [tilespmem:v0+s9+$0x8140 ss:$0x1], $0xffff;
	_ =	sdelay $0x5  }
0x12d: {  	[tilespmem:s9+$0x8540] =	vst.add.f32.msk $0xffff, v1  }
0x12e: {  	v1 =	vld.idx.msk [tilespmem:v0+s9+$0x8150 ss:$0x1], $0xffff;
	_ =	sdelay $0x5  }
0x12f: {  	[tilespmem:s9+$0x8550] =	vst.add.f32.msk $0xffff, v1  }
0x130: {  	v1 =	vld.idx.msk [tilespmem:v0+s9+$0x8160 ss:$0x1], $0xffff;
	_ =	sdelay $0x5  }
0x131: {  	[tilespmem:s9+$0x8560] =	vst.add.f32.msk $0xffff, v1  }
0x132: {  	v1 =	vld.idx.msk [tilespmem:v0+s9+$0x8170 ss:$0x1], $0xffff;
	_ =	sdelay $0x5  }
0x133: {  	[tilespmem:s9+$0x8570] =	vst.add.f32.msk $0xffff, v1  }
0x134: {  	v1 =	vld.idx.msk [tilespmem:v0+s9+$0x8180 ss:$0x1], $0xffff;
	_ =	sdelay $0x5  }
0x135: {  	[tilespmem:s9+$0x8580] =	vst.add.f32.msk $0xffff, v1  }
0x136: {  	v1 =	vld.idx.msk [tilespmem:v0+s9+$0x8190 ss:$0x1], $0xffff;
	_ =	sdelay $0x5  }
0x137: {  	[tilespmem:s9+$0x8590] =	vst.add.f32.msk $0xffff, v1  }
0x138: {  	v1 =	vld.idx.msk [tilespmem:v0+s9+$0x81A0 ss:$0x1], $0xffff;
	_ =	sdelay $0x5  }
0x139: {  	[tilespmem:s9+$0x85A0] =	vst.add.f32.msk $0xffff, v1  }
0x13a: {  	v1 =	vld.idx.msk [tilespmem:v0+s9+$0x81B0 ss:$0x1], $0xffff;
	_ =	sdelay $0x5  }
0x13b: {  	[tilespmem:s9+$0x85B0] =	vst.add.f32.msk $0xffff, v1  }
0x13c: {  	v1 =	vld.idx.msk [tilespmem:v0+s9+$0x81C0 ss:$0x1], $0xffff;
	_ =	sdelay $0x5  }
0x13d: {  	[tilespmem:s9+$0x85C0] =	vst.add.f32.msk $0xffff, v1  }
0x13e: {  	v1 =	vld.idx.msk [tilespmem:v0+s9+$0x81D0 ss:$0x1], $0xffff;
	_ =	sdelay $0x5  }
0x13f: {  	[tilespmem:s9+$0x85D0] =	vst.add.f32.msk $0xffff, v1  }
0x140: {  	v1 =	vld.idx.msk [tilespmem:v0+s9+$0x81E0 ss:$0x1], $0xffff;
	_ =	sdelay $0x5  }
0x141: {  	[tilespmem:s9+$0x85E0] =	vst.add.f32.msk $0xffff, v1  }
0x142: {  	v1 =	vld.idx.msk [tilespmem:v0+s9+$0x81F0 ss:$0x1], $0xffff  }
.Ltmp1:
0x143: {  	(pc) =	sbr.rel @p0 .LBB2_5-.Ltmp1, $2  }
0x144: {  	_ =	sdelay $0x2  }
0x145: {  	s2 =	sadd.s32 $0x800, s2  }
0x146: {  	s6 =	sadd.s32 $0x1, s6  }
0x147: {  	p0 =	sne.s32 s6, $0x19  }
.Ltmp2:
0x148: {  	_ = 	snop;
	(pc) =	sbr.rel @p0 .LBB2_2-.Ltmp2, $4  }
0x149: {  	s0 =	sshll.u32 s0, $0x4  }
0x14a: {  	s13 =	sadd.s32 $0x10000, s13;
	s14 =	sadd.s32 $0x400, s14;
	s0 =	sand.u32 $0x1FFFE000, s0  }
0x14b: {  	[tilespmem:s9+$0x85F0] =	vst.add.f32.msk $0xffff, v1;
	s15 =	sadd.s32 $0x10000, s15;
	s31 =	sadd.s32 $0x400, s31;
	s0 =	sadd.s32 s7, s0  }
0x14c: {  	[hbm4b:s0+s24] =	stream.strided.scatter [tilespmem:s23], [sflag:$0x6], $0x8000, s25, s24, $0x38;
	[tilespmem:$0x1B600] =	vst v63  }
0x14d: {  	_ =	swait.ge [sflag:s28], $0x8000  }
0x14e: {  	[sflag:s28] =	ssyncset.done $0x0  }
0x14f: {  	[sflag:s28] =	ssyncadd.s32 $0xFFFF8000  }
0x150: {  	_ =	swait.ge [sflag:s29], $0x8000  }
0x151: {  	s30 =	sadd.s32 $0x1, s30;
	s0 =	rddreg [dreg:$0x6]  }
0x152: {  	p0 =	sne.s32 s30, s0  }
.Ltmp3:
0x153: {  	_ = 	snop;
	(pc) =	sbr.rel @p0 .LBB2_1-.Ltmp3, $3  }
0x154: {  	_ =	sdelay $0x1  }
0x155: {  	[sflag:s29] =	ssyncset.done $0x0  }
0x156: {  	[sflag:s29] =	ssyncadd.s32 $0xFFFF8000  }
0x157: {  	_ =	sfence.sel $0x180000  }
0x158: {  	[bflag:$0x0] =	sbarrier.arrive $0xFFFF  }
0x159: {  	_ =	strace $0x90000047  }
0x15a: {  	s0 =	stileid.u32;
	[bflag:$0x2] =	sbarrier.arrive $0xFFFF  }
0x15b: {  	p0 =	sne.s32 s0, $0x0;
	s0 =	rddreg [dreg:$0x2]  }
0x15c: {  	s0 =	sadd.s32 @!p0 $0x100000, s0  }
0x15d: {  	[sflag:s0] =	ssyncadd.tile.s32 @!p0 $0x1;
	_ =	shalt  }
.Lfunc_end2:
_tile_overlayer_lowered:
.L_overlay_start_2:
0x15e: {  	(tag) =	ssettag $0x2  }
0x15f: {  	s0 =	rddreg [dreg:$0x0];
	s2 =	stileid.u32  }
0x160: {  	s1 =	rddreg [dreg:$0x1];
	p0 =	sne.s32 s2, $0x0  }
0x161: {  	s3 =	rddreg [dreg:$0x2];
	[bflag:$0x3] =	sbarrier.arrive $0xFFFF;
	s2 =	simm.s32 @!p0 $0x1C07  }
0x162: {  	[timem:s3], [sflag:s2] =	dma.local @!p0 [hbm:s0], s1  }
0x163: {  	s0 =	simm.s32 @!p0 $0x7  }
0x164: {  	_ =	swait.ge @!p0 [sflag:s0], s1  }
0x165: {  	s1 =	ssub.s32 @!p0 $0x0, s1;
	[sflag:s0] =	ssyncset.done @!p0 $0x0  }
0x166: {  	[sflag:s0] =	ssyncadd.s32 @!p0 s1  }
0x167: {  	[bflag:$0x3] =	sbarrier.arrive $0xFFFF  }
0x168: {  	_ =	shalt  }

// kernel: sparse-core-data-format-call.cloned.1.call-start
scs
called_computation_lowered:
.L_overlay_start_0:
0x0: {  	s2 =	sld [smem:$0x3FD9]  }
0x1: {  	s3 =	sld [smem:$0x3FFE];
	_ =	sdelay $0x1  }
0x2: {  	s1 =	srdreg.scid  }
0x3: {  	s0 =	sand.u32 $0x1, s1  }
0x4: {  	s18 =	sshll.u32 s0, $0xA;
	s2 =	sadd.s32 s3, s2  }
0x5: {  	s2 =	sadd.s32 s2, s18  }
0x6: {  	[smem:$0x3FC5] =	sst s2  }
0x7: {  	_ = 	snop  }
0x8: {  	s2 =	sld [smem:$0x3FD0];
	(tm) =	ssettm $0x1  }
0x9: {  	s19 =	sld [smem:$0x3FFB];
	_ =	sdelay $0x3  }
0xa: {  	_ =	strace s19  }
0xb: {  	s3 =	sld [smem:$0x3FFC];
	_ =	sdelay $0x3  }
0xc: {  	_ =	strace s3  }
0xd: {  	s3 =	sld [smem:$0x3FFD];
	_ =	sdelay $0x3  }
0xe: {  	_ =	strace s3  }
0xf: {  	_ =	strace $0x8FFFFFFF  }
0x10: {  	s20 =	sld [smem:$0x3FDB];
	_ =	sdelay $0x1  }
0x11: {  	s4 =	simm.s32 $_scs_section_size  }
0x12: {  	s5 =	simm.s32 $_size__tile_overlayer_lowered;
	s6 =	simm.s32 $_tile_overlayer_lowered  }
0x13: {  	s23 =	simm.s32 $0x1BFF;
	s22 =	sshll.u32 s6, $0x1;
	s3 =	sadd.s32 s4, s20  }
0x14: {  	s7 =	simm.s32 $0x0;
	s21 =	sshll.u32 s5, $0x1;
	s5 =	sadd.s32 s22, s3  }
0x15: {  	[timem:s7], [sflag:s23] =	dma.local [hbm:s5], s21  }
0x16: {  	_ =	swait.ge [sflag:s23], s21  }
0x17: {  	s4 =	ssub.s32 $0x0, s21;
	[sflag:s23] =	ssyncset.done $0x0  }
0x18: {  	[sflag:s23] =	ssyncadd.s32 s4;
	_ =	sdelay $0x1  }
0x19: {  	s24 =	simm.s32 $0x1B8B  }
0x1a: {  	_ =	swait.ge [sflag:s24], $0x1  }
0x1b: {  	[sflag:s24] =	ssyncset.done $0x0  }
0x1c: {  	s26 =	simm.s32 $0x1B8E;
	s25 =	sld [smem:$0x3FFE];
	[sflag:s24] =	ssyncadd.s32 $0xFFFFFFFF  }
0x1d: {  	s27 =	simm.s32 $execute0_lowered;
	[smem:$0x3FD2] =	sst s26  }
0x1e: {  	s5 =	sshll.u32 s27, $0x1;
	_ =	strace $0x80000049;
	[dreg:$0x1] =	wrdreg $0xFFFFFFFF  }
0x1f: {  	s28 =	simm.s32 $_size_execute0_lowered;
	s3 =	sadd.s32 s3, s5;
	[dreg:$0x0] =	wrdreg $0x0  }
0x20: {  	s5 =	sshll.u32 s28, $0x1;
	[dreg:$0x2] =	wrdreg s3  }
0x21: {  	[dreg:$0x3] =	wrdreg s5  }
0x22: {  	[dreg:$0x4] =	wrdreg $0xC0  }
0x23: {  	_ =	task [dreg:s7], $0x5FFFF  }
0x24: {  	[dreg:$0x1] =	wrdreg $0xFFFFFFFF  }
0x25: {  	[dreg:$0x0] =	wrdreg $0x60  }
0x26: {  	[dreg:$0x2] =	wrdreg s25  }
0x27: {  	[dreg:$0x3] =	wrdreg s2  }
0x28: {  	[dreg:$0x4] =	wrdreg $0x9  }
0x29: {  	_ =	task.clear_ibuf [dreg:s7], $0x5FFFF;
	_ =	strace $0x90000049  }
0x2a: {  	s29 =	simm.s32 $0x9;
	_ =	strace $0x8000004B  }
0x2b: {  	_ =	swait.ge [sflag:s29], $0x1  }
0x2c: {  	[sflag:s29] =	ssyncadd.s32 $0xFFFFFFFF  }
0x2d: {  	_ =	strace $0x9000004B  }
0x2e: {  	_ =	sfence  }
0x2f: {  	s30 =	sld [smem:$0x0];
	_ =	sdelay $0x2  }
0x30: {  	s31 =	sshll.u32 s1, $0xD;
	s1 =	sshrl.u32 s1, $0x2  }
0x31: {  	s3 =	sand.u32 $0x4000, s31;
	s1 =	sadd.s32 s1, s30  }
0x32: {  	s0 =	sor.u32 s3, s0;
	s1 =	sshll.u32 s1, $0x11  }
0x33: {  	s0 =	sor.u32 s1, s0  }
0x34: {  	s0 =	sadd.s32 $0x8F2B, s0  }
0x35: {  	[sflag:s0] =	ssyncadd.remote.s32 $0x1  }
0x36: {  	_ =	sfence.sel $0xFFFF  }
0x37: {  	[dreg:$0x0] =	wrdreg $0xFFFFFFFF;
	(pc) =	sbr.abs _section_cstart, $3  }
0x38: {  	[dreg:$0x1] =	wrdreg $0xFFFFFFFF  }
0x39: {  	_ =	task.clear_ibuf [dreg:s7], $0x2FFFF;
	_ =	strace $0x9FFFFFFF  }
0x3a: {  	(tm) =	ssettm $0x7FFFFFFF  }
0x3b: {  	_ =	shalt  }
tec
execute0_lowered:
.L_overlay_start_1:
0x0: {  	(tag) =	ssettag $0x1  }
0x1: {  	s0 =	srdreg.scid  }
0x2: {  	s1 =	sshll.u32 s0, $0x4  }
0x3: {  	s0 =	stileid.u32;
	s1 =	sand.u32 $0x10, s1  }
0x4: {  	s1 =	sor.u32 s0, s1  }
0x5: {  	s6 =	rddreg [dreg:$0x0];
	s4 =	simm.s32 $0x1;
	s2 =	sshll.u32 s1, $0x7  }
0x6: {  	s7 =	simm.s32 $0x2;
	s12 =	simm.s32 $0x0;
	s1 =	ssub.s32 $0x1000, s2  }
0x7: {  	s8 =	simm.s32 $0x8000;
	s13 =	simm.s32 $0x0;
	s3 =	sand.u32 $0xF80, s1  }
0x8: {  	s9 =	simm.s32 $0x0;
	s5 =	sshrl.u32 s1, $0xC;
	p0 =	sne.s32 s3, $0x0  }
.Ltmp0:
0x9: {  	s1 =	rddreg [dreg:$0x2];
	s4 =	simm.s32 @!p0 $0x0;
	(pc) =	sbr.rel .LBB1_1-.Ltmp0, $4  }
0xa: {  	s11 =	simm.s32 $0x0;
	s3 =	rddreg [dreg:$0x1];
	s5 =	sadd.s32 s4, s5  }
0xb: {  	_ =	strace $0x8000004A;
	s4 =	simm.s32 $0x1;
	s5 =	smul.u32 $0xC8, s5  }
0xc: {  	s6 =	sadd.s32 $0x2600, s6;
	s10 =	smov.u32 s2;
	[sflag:s4] =	ssyncpa.u1 $0x0  }
0xd: {  	p0 =	por $0x0, $0x0;
	[sflag:s7] =	ssyncpa.u1 $0x0;
	s7 =	sor.u32 $0x1, s5  }
.LBB1_4:
0xe: {  	s16 =	sshll.u32 s13, $0x3;
	s17 =	sand.u32 $0x78, s13  }
0xf: {  	s30 =	sand.u32 $0x7E00, s13;
	s12 =	sshll.u32 s12, $0xF;
	s16 =	sand.u32 $0xC00, s16  }
0x10: {  	[tilespmem:s15+$0x810 ss:$0x81] =	vst.msk $0xffff, v2;
	s31 =	sand.u32 $0x7, s13;
	s16 =	sor.u32 s17, s16;
	s17 =	sadd.s32 s3, s30  }
0x11: {  	[tilespmem:s15+$0x1020 ss:$0x81] =	vst.msk $0xffff, v0;
	s13 =	sshll.u32 s31, $0x12;
	s12 =	sadd.s32 s12, s17;
	s16 =	sshrl.u32 s16, $0x3  }
0x12: {  	[tilespmem:s15+$0x0 ss:$0x81] =	vst.msk $0xffff, v1;
	s13 =	sor.u32 $0x400, s13;
	s12 =	sadd.s32 s16, s12  }
0x13: {  	[hbm4b:s12+s13] =	stream.strided.scatter [tilespmem:s14], [sflag:$0x2], $0x2000, s8, s13, $0x20;
	[tilespmem:$0x8080] =	vst v63  }
.LBB1_5:
0x14: {  	s14 =	sadd.s32 $0x1, s9  }
0x15: {  	s12 =	sadd.s32 $0x1000, s10;
	s16 =	smov.u32 s10;
	p2 =	sgt.s32 s14, $0xC7  }
0x16: {  	s16 =	smov.u32 @p2 s12  }
0x17: {  	s14 =	simm.s32 @p2 $0x0;
	p2 =	sgt.s32 s16, $0xFFF  }
0x18: {  	s16 =	smov.u32 @p2 s2;
	p2 =	sne.s32 s11, s7  }
.Ltmp1:
0x19: {  	p1 =	slt.u32 s11, $0x2;
	(pc) =	sbr.rel @!p2 .LBB1_6-.Ltmp1, $4  }
0x1a: {  	s15 =	simm.s32 @!p1 $0x2  }
0x1b: {  	s13 =	smov.u32 s10;
	p0 =	por !p0, !p0;
	_ =	swait.ge @!p1 [sflag:s15], $0x2000  }
0x1c: {  	s12 =	smov.u32 s9;
	[sflag:s15] =	ssyncset.done @!p1 $0x0;
	s9 =	smov.u32 s14  }
0x1d: {  	s11 =	sadd.s32 $0x1, s11;
	[sflag:s15] =	ssyncadd.s32 @!p1 $0xFFFFE000;
	s10 =	smov.u32 s16  }
.LBB1_1:
0x1e: {  	p1 =	sge.u32 s11, s5  }
0x1f: {  	s14 =	sand.u32 @!p1 $0x1FFFFFF, s9  }
0x20: {  	s15 =	smulhi.u32 @!p1 $0x147AE15, s14;
	_ =	sdelay $0x1  }
0x21: {  	s15 =	smul.u32 @!p1 $0xC8, s15  }
0x22: {  	s16 =	sxor.u32 @!p1 $0xFFFFFFFF, s11;
	s17 =	smul.u32 @!p1 $0xC80, s10  }
0x23: {  	s31 =	sadd.s32 $0xFFFFFFFF, s11;
	s16 =	sshll.u32 @!p1 s16, $0xD;
	s14 =	ssub.s32 @!p1 s14, s15  }
0x24: {  	s15 =	sand.u32 @!p1 $0x2000, s16;
	s16 =	sadd.s32 @!p1 s6, s17;
	s14 =	sshll.u32 @!p1 s14, $0x4  }
0x25: {  	s17 =	simm.s32 @!p1 $0x6400;
	s14 =	sadd.s32 @!p1 s14, s16;
	s16 =	simm.s32 @!p1 $0x40  }
0x26: {  	[tilespmem:s15], [sflag:$0x1] =	stream.strided.gather @!p1 [hbm4b:s14+s16], $0x2000, s17, s16, $0x38;
	[tilespmem:$0x8080] =	vst v63  }
0x27: {  	p1 =	sge.u32 s31, s5  }
.Ltmp2:
0x28: {  	_ = 	snop;
	(pc) =	sbr.rel @p1 .LBB1_5-.Ltmp2, $1  }
0x29: {  	_ =	sdelay $0x3  }
0x2a: {  	s14 =	simm.s32 $0x1  }
0x2b: {  	_ =	swait.ge [sflag:s4], $0x2000;
	s14 =	simm.s32 @!p0 $0x0  }
0x2c: {  	[sflag:s4] =	ssyncset.done $0x0;
	s15 =	sshll.u32 s14, $0xD  }
0x2d: {  	[sflag:s4] =	ssyncadd.s32 $0xFFFFE000;
	s18 =	sor.u32 $0x20, s15  }
0x2e: {  	s14 =	smul.u32 $0x8100, s14;
	v3 =	vld [tilespmem:s18+$0x10]  }
0x2f: {  	s30 =	sand.u32 $0x1, s11;
	v2 =	vld [tilespmem:s18+$0xFFFFFFF0]  }
0x30: {  	s15 =	smul.u32 $0x8100, s30;
	s14 =	sshrl.u32 s14, $0x2;
	v0 =	vld [tilespmem:s18+$0x0]  }
0x31: {  	v1 =	vld [tilespmem:s18+$0xFFFFFFE0];
	s16 =	sor.u32 $0x4000, s14  }
0x32: {  	s31 =	sshrl.u32 s15, $0x2;
	s15 =	sadd.s32 $0x0, s16  }
0x33: {  	s17 =	simm.s32 $0x4;
	s18 =	sadd.s32 $0x40, s18;
	s14 =	sor.u32 $0x4000, s31;
	[tilespmem:s15+$0x1830 ss:$0x81] =	vst.msk $0xffff, v3  }
.LBB1_3:
0x34: {  	v3 =	vld [tilespmem:s18+$0x10];
	p1 =	sne.s32 s17, $0x1FC;
	[tilespmem:s15+$0x810 ss:$0x81] =	vst.msk $0xffff, v2;
	s19 =	smov.u32 s17;
	s17 =	sadd.s32 $0x4, s17  }
.Ltmp3:
0x35: {  	v2 =	vld [tilespmem:s18+$0xFFFFFFF0];
	[tilespmem:s15+$0x1020 ss:$0x81] =	vst.msk $0xffff, v0;
	(pc) =	sbr.rel @p1 .LBB1_3-.Ltmp3, $4  }
0x36: {  	v0 =	vld [tilespmem:s18+$0x0];
	[tilespmem:s15+$0x0 ss:$0x81] =	vst.msk $0xffff, v1  }
0x37: {  	s15 =	sshra.s32 s19, $0x2;
	v1 =	vld [tilespmem:s18+$0xFFFFFFE0]  }
0x38: {  	s15 =	sadd.s32 s15, s16  }
0x39: {  	s18 =	sadd.s32 $0x40, s18;
	[tilespmem:s15+$0x1830 ss:$0x81] =	vst.msk $0xffff, v3  }
.Ltmp4:
0x3a: {  	_ = 	snop;
	(pc) =	sbr.rel .LBB1_4-.Ltmp4, $1  }
0x3b: {  	_ =	sdelay $0x3  }
.LBB1_6:
0x3c: {  	_ =	sfence.sel $0x180000  }
0x3d: {  	s2 =	simm.s32 $0x1;
	[bflag:$0x0] =	sbarrier.arrive $0xFFFF  }
0x3e: {  	s31 =	simm.s32 $0x2;
	[sflag:s2] =	ssyncpa.u1 $0x1  }
0x3f: {  	[sflag:s31] =	ssyncpa.u1 $0x1  }
0x40: {  	p0 =	sne.s32 s0, $0x0;
	_ =	strace $0x9000004A  }
0x41: {  	s0 =	sadd.s32 @!p0 $0x100000, s1;
	[bflag:$0x2] =	sbarrier.arrive $0xFFFF  }
0x42: {  	[sflag:s0] =	ssyncadd.tile.s32 @!p0 $0x1;
	_ =	shalt  }
.Lfunc_end1:
_tile_overlayer_lowered:
.L_overlay_start_2:
0x43: {  	(tag) =	ssettag $0x2  }
0x44: {  	s0 =	rddreg [dreg:$0x0];
	s2 =	stileid.u32  }
0x45: {  	s1 =	rddreg [dreg:$0x1];
	p0 =	sne.s32 s2, $0x0  }
0x46: {  	s3 =	rddreg [dreg:$0x2];
	[bflag:$0x3] =	sbarrier.arrive $0xFFFF;
	s2 =	simm.s32 @!p0 $0x1C01  }
0x47: {  	[timem:s3], [sflag:s2] =	dma.local @!p0 [hbm:s0], s1  }
0x48: {  	s0 =	simm.s32 @!p0 $0x1  }
0x49: {  	_ =	swait.ge @!p0 [sflag:s0], s1  }
0x4a: {  	s1 =	ssub.s32 @!p0 $0x0, s1;
	[sflag:s0] =	ssyncset.done @!p0 $0x0  }
0x4b: {  	[sflag:s0] =	ssyncadd.s32 @!p0 s1  }
0x4c: {  	[bflag:$0x3] =	sbarrier.arrive $0xFFFF  }
0x4d: {  	_ =	shalt  }

</sc_bundles>
